<compile_context>
chip_gen: v7x
topology: tpu7x:2x2x1
jax: 0.10.2.dev20260603
libtpu: 0.0.44.dev20260713+nightly
codegen_flags: <defaults>
</compile_context>

<pallas_src>
import functools

import jax
import jax.numpy as jnp
from jax import lax
from jax.experimental import pallas as pl
from jax.experimental.pallas import tpu as pltpu
from jax.experimental.pallas import tpu_sc as plsc

NC = 2
NS = 16
NW = NC * NS
LANES = 16

INV_SQRT2 = 0.70710678118654752

O, T, D = 10000, 320000, 128
N = O + T
R = 2000
CH = 80
NCH = N // CH
HEAD_CH = O // CH
MID_END_CH = T // CH
CPW = (NCH + NW - 1) // NW
IDXPAD = NW * CPW
IH1 = 64
IBUF = 72
CPW_PAD = IH1 + IBUF
SUB = 100
EPW = T // NW
QT = 624
PIECE = 208
REM = O - NS * QT
HW = 16


def _hist_body(o_hbm, cpart_hbm, oidx, ones_buf, zbuf, hist_sh):
    cid = lax.axis_index("c")
    sid = lax.axis_index("s")
    wid = sid * NC + cid

    zero16 = jnp.zeros((LANES,), jnp.float32)
    ones16 = jnp.ones((LANES,), jnp.float32)

    def zl(r, carry):
        zbuf[r, pl.ds(0, HW)] = zero16
        return carry

    lax.fori_loop(0, PIECE, zl, 0)

    def ol(r, carry):
        ones_buf[r, pl.ds(0, HW)] = ones16
        return carry

    lax.fori_loop(0, CH, ol, 0)

    for q in range(QT // PIECE):
        pltpu.sync_copy(zbuf, hist_sh.at[pl.ds(sid * QT + q * PIECE, PIECE)])

    @pl.when(sid == 0)
    def _():
        pltpu.sync_copy(zbuf.at[pl.ds(0, REM)], hist_sh.at[pl.ds(NS * QT, REM)])

    plsc.subcore_barrier()

    def hloop(r, carry):
        pltpu.sync_copy(o_hbm.at[pl.ds(wid * EPW + r * CH, CH)], oidx)
        pltpu.sync_copy(ones_buf, hist_sh.at[oidx], add=True)
        return carry

    lax.fori_loop(0, EPW // CH, hloop, 0)
    plsc.subcore_barrier()

    for q in range(QT // PIECE):
        sl = pl.ds(sid * QT + q * PIECE, PIECE)
        pltpu.sync_copy(hist_sh.at[sl], cpart_hbm.at[cid, sl])

    @pl.when(sid == 0)
    def _():
        sl = pl.ds(NS * QT, REM)
        pltpu.sync_copy(hist_sh.at[sl], cpart_hbm.at[cid, sl])


_hist = pl.kernel(
    _hist_body,
    out_type=jax.ShapeDtypeStruct((NC, O, HW), jnp.float32),
    mesh=plsc.VectorSubcoreMesh(core_axis_name="c", subcore_axis_name="s"),
    scratch_types=[
        pltpu.VMEM((CH,), jnp.int32),
        pltpu.VMEM((CH, HW), jnp.float32),
        pltpu.VMEM((PIECE, HW), jnp.float32),
        pltpu.VMEM_SHARED((O, HW), jnp.float32),
    ],
)


def _mm_obj_body(x_ref, wt_ref, cpart_ref, g_ref):
    h = jnp.dot(x_ref[...], wt_ref[...], preferred_element_type=jnp.float32)
    c = jnp.sum(cpart_ref[...], axis=(0, 1, 3)) * jnp.float32(1.0 / HW)
    dinv = lax.rsqrt(c + 2.0)
    g_ref[...] = h * dinv[:, None]


def _mm_pred_body(x_ref, wt_ref, g_ref):
    i = pl.program_id(0)
    h = jnp.dot(x_ref[...], wt_ref[...], preferred_element_type=jnp.float32)
    scale = jnp.where(i < (T - O) // R, jnp.float32(INV_SQRT2), jnp.float32(1.0))
    g_ref[...] = h * scale


def _mm_obj(x, wt, cpart):
    return pl.pallas_call(
        _mm_obj_body,
        grid=(O // R,),
        in_specs=[
            pl.BlockSpec((R, D), lambda i: (i, 0)),
            pl.BlockSpec((D, D), lambda i: (0, 0)),
            pl.BlockSpec((NC, 1, R, HW), lambda i: (0, i, 0, 0)),
        ],
        out_specs=pl.BlockSpec((R, D), lambda i: (i, 0)),
        out_shape=jax.ShapeDtypeStruct((O, D), jnp.float32),
    )(x, wt, cpart)


def _mm_pred(x, wt):
    return pl.pallas_call(
        _mm_pred_body,
        grid=(T // R,),
        in_specs=[
            pl.BlockSpec((R, D), lambda i: (i, 0)),
            pl.BlockSpec((D, D), lambda i: (0, 0)),
        ],
        out_specs=pl.BlockSpec((R, D), lambda i: (i, 0)),
        out_shape=jax.ShapeDtypeStruct((T, D), jnp.float32),
    )(x, wt)


def _main_body(gobj_hbm, gpred_hbm, s_hbm, o_hbm, b_hbm,
               outp_hbm, yhead_hbm, accp_hbm,
               g_loc, gath, sidx, oidx, b_loc, zrow, acc_sh,
               sem_g, sem_i, sem_st):
    cid = lax.axis_index("c")
    sid = lax.axis_index("s")
    wid = sid * NC + cid

    zero16 = jnp.zeros((LANES,), jnp.float32)

    def zloop(r, carry):
        for j in range(D // LANES):
            zrow[r, pl.ds(j * LANES, LANES)] = zero16
        return carry

    lax.fori_loop(0, PIECE, zloop, 0)
    for q in range(QT // PIECE):
        pltpu.sync_copy(zrow, acc_sh.at[pl.ds(sid * QT + q * PIECE, PIECE)])

    @pl.when(sid == 0)
    def _():
        pltpu.sync_copy(zrow.at[pl.ds(0, REM)], acc_sh.at[pl.ds(NS * QT, REM)])

    pltpu.sync_copy(b_hbm, b_loc)
    plsc.subcore_barrier()

    inv2 = jnp.float32(INV_SQRT2)

    def chunk(i, carry):
        ch = i * NW + wid

        @pl.when(ch < NCH)
        def _():
            base = ch * CH
            is_head = ch < HEAD_CH
            is_tail = ch >= MID_END_CH
            is_mid = jnp.logical_and(jnp.logical_not(is_head),
                                     jnp.logical_not(is_tail))

            @pl.when(i > 0)
            def _():
                pltpu.make_async_copy(
                    gath, outp_hbm.at[pl.ds(0, CH)], sem_st).wait()

            @pl.when(is_head)
            def _():
                pltpu.sync_copy(gobj_hbm.at[pl.ds(base, CH)], g_loc)

            @pl.when(jnp.logical_not(is_head))
            def _():
                pltpu.sync_copy(gpred_hbm.at[pl.ds(base - O, CH)], g_loc)

            @pl.when(jnp.logical_not(is_tail))
            def _():
                d_s = pltpu.async_copy(s_hbm.at[pl.ds(base, CH)], sidx, sem_i)
                d_o = pltpu.async_copy(o_hbm.at[pl.ds(base, CH)], oidx, sem_i)
                d_s.wait()
                d_o.wait()
                pltpu.async_copy(gobj_hbm.at[sidx], gath, sem_g).wait()
                pltpu.sync_copy(g_loc, acc_sh.at[oidx], add=True)

            @pl.when(is_head)
            def _():
                def rl(r, c2):
                    for j in range(D // LANES):
                        sl = pl.ds(j * LANES, LANES)
                        gath[r, sl] = gath[r, sl] + g_loc[r, sl]
                    return c2

                lax.fori_loop(0, CH, rl, 0)
                pltpu.async_copy(gath, yhead_hbm.at[pl.ds(base, CH)], sem_st)

            @pl.when(is_mid)
            def _():
                def rl(r, c2):
                    for j in range(D // LANES):
                        sl = pl.ds(j * LANES, LANES)
                        gath[r, sl] = ((gath[r, sl] + g_loc[r, sl]) * inv2
                                       + b_loc[sl])
                    return c2

                lax.fori_loop(0, CH, rl, 0)
                pltpu.async_copy(gath, outp_hbm.at[pl.ds(base - O, CH)],
                                 sem_st)

            @pl.when(is_tail)
            def _():
                def rl(r, c2):
                    for j in range(D // LANES):
                        sl = pl.ds(j * LANES, LANES)
                        gath[r, sl] = g_loc[r, sl] + b_loc[sl]
                    return c2

                lax.fori_loop(0, CH, rl, 0)
                pltpu.async_copy(gath, outp_hbm.at[pl.ds(base - O, CH)],
                                 sem_st)

        return carry

    lax.fori_loop(0, CPW, chunk, 0)
    plsc.subcore_barrier()

    for q in range(QT // PIECE):
        sl = pl.ds(sid * QT + q * PIECE, PIECE)
        pltpu.sync_copy(acc_sh.at[sl], accp_hbm.at[cid, sl])

    @pl.when(sid == 0)
    def _():
        sl = pl.ds(NS * QT, REM)
        pltpu.sync_copy(acc_sh.at[sl], accp_hbm.at[cid, sl])


_main_sc = pl.kernel(
    _main_body,
    out_type=(
        jax.ShapeDtypeStruct((T, D), jnp.float32),
        jax.ShapeDtypeStruct((O, D), jnp.float32),
        jax.ShapeDtypeStruct((NC, O, D), jnp.float32),
    ),
    mesh=plsc.VectorSubcoreMesh(core_axis_name="c", subcore_axis_name="s"),
    scratch_types=[
        pltpu.VMEM((CH, D), jnp.float32),
        pltpu.VMEM((CH, D), jnp.float32),
        pltpu.VMEM((CH,), jnp.int32),
        pltpu.VMEM((CH,), jnp.int32),
        pltpu.VMEM((D,), jnp.float32),
        pltpu.VMEM((PIECE, D), jnp.float32),
        pltpu.VMEM_SHARED((O, D), jnp.float32),
        pltpu.SemaphoreType.DMA,
        pltpu.SemaphoreType.DMA,
        pltpu.SemaphoreType.DMA,
    ],
)


def _final_obj_body(y_ref, acc_ref, cpart_ref, b_ref, out_ref):
    a = acc_ref[...]
    accsum = a[0] + a[1]
    c = jnp.sum(cpart_ref[...], axis=(0, 1, 3)) * jnp.float32(1.0 / HW)
    dinv = lax.rsqrt(c + 2.0)
    out_ref[...] = dinv[:, None] * (y_ref[...] + accsum) + b_ref[...]


def _final_obj(yhead, accp, cpart, b2):
    return pl.pallas_call(
        _final_obj_body,
        grid=(O // R,),
        in_specs=[
            pl.BlockSpec((R, D), lambda i: (i, 0)),
            pl.BlockSpec((NC, R, D), lambda i: (0, i, 0)),
            pl.BlockSpec((NC, 1, R, HW), lambda i: (0, i, 0, 0)),
            pl.BlockSpec((1, D), lambda i: (0, 0)),
        ],
        out_specs=pl.BlockSpec((R, D), lambda i: (i, 0)),
        out_shape=jax.ShapeDtypeStruct((O, D), jnp.float32),
    )(yhead, accp, cpart, b2)


def kernel(obj_vecs, pred_vecs, edges, W, b):
    s = edges[:, 0]
    o = edges[:, 1]
    wt = W.T
    cpart = _hist(o)
    cpart4 = cpart.reshape(NC, O // R, R, HW)
    g_obj = _mm_obj(obj_vecs, wt, cpart4)
    g_pred = _mm_pred(pred_vecs, wt)
    out_pred, yhead, accp = _main_sc(g_obj, g_pred, s, o, b)
    out_obj = _final_obj(yhead, accp, cpart4, b.reshape(1, D))
    return (out_obj, out_pred)

# --- scband reference (transcript-rebuilt; emitter-appended) ---
"""Pipeline reference for scband-graph-conv-layer-8048768713465 (READ-ONLY COPY).

The authoritative reference and input builder live on the scoring server;
editing this copy changes nothing except your own understanding.
"""

import jax, jax.numpy as jnp
import numpy as np

O, T, D = 10000, 320000, 128

def setup_inputs(seed: int = 0) -> dict:
    key = jax.random.key(seed)
    k1, k2, k3, k4 = jax.random.split(key, 4)
    obj_vecs = jax.random.normal(k1, (O, D), dtype=jnp.float32)
    pred_vecs = jax.random.normal(k2, (T, D), dtype=jnp.float32)
    edges = jax.random.randint(k3, (T, 2), 0, O, dtype=jnp.int32)
    # GCNConv linear weight, kaiming_normal_ (fan_in = D)
    W = jax.random.normal(k4, (D, D), dtype=jnp.float32) * np.sqrt(2.0 / D)
    b = jnp.zeros((D,), dtype=jnp.float32)
    return {"obj_vecs": obj_vecs, "pred_vecs": pred_vecs, "edges": edges, "W": W, "b": b}

def reference(obj_vecs, pred_vecs, edges, W, b):
    Oo = obj_vecs.shape[0]
    Tt = pred_vecs.shape[0]
    x = jnp.concatenate([obj_vecs, pred_vecs], axis=0)
    N = Oo + Tt
    idt = edges.dtype
    k = jnp.arange(Tt, dtype=idt)
    s = edges[:, 0]
    o = edges[:, 1]
    # Faithful to original: predicate node index k is used WITHOUT the +O offset
    # (as in the source code), edges s->k and k->o, then GCN self-loops on all N nodes.
    loop = jnp.arange(N, dtype=idt)
    src = jnp.concatenate([s, k, loop])
    dst = jnp.concatenate([k, o, loop])
    # gcn_norm: deg over dst (col), symmetric normalization
    deg = jnp.zeros((N,), dtype=x.dtype).at[dst].add(1.0)
    deg_safe = jnp.where(deg > 0, deg, 1.0)
    dinv = jnp.where(deg > 0, jax.lax.rsqrt(deg_safe), 0.0)
    norm = dinv[src] * dinv[dst]
    h = x @ W.T
    msg = h[src] * norm[:, None]
    out = jnp.zeros((N, W.shape[0]), dtype=x.dtype).at[dst].add(msg)
    out = out + b
    return (out[:Oo], out[Oo:])

if __name__ == "__main__":
    import jax
    _d = setup_inputs()
    print(jax.jit(kernel)(*tuple(_d.values())))

</pallas_src>

<mosaic_0001>
#map = affine_map<(d0, d1) -> (0, 0)>
#map1 = affine_map<(d0, d1) -> (0)>
#map2 = affine_map<(d0, d1) -> (0, 0, 0)>
module attributes {stable_mosaic.version = 14 : i64} {
  func.func @_main_body(%arg0: i32, %arg1: i32, %arg2: memref<10000x128xf32, #tpu.memory_space<hbm>>, %arg3: memref<320000x128xf32, #tpu.memory_space<hbm>>, %arg4: memref<320000xi32, #tpu.memory_space<hbm>>, %arg5: memref<320000xi32, #tpu.memory_space<hbm>>, %arg6: memref<128xf32, #tpu.memory_space<hbm>>, %arg7: memref<320000x128xf32, #tpu.memory_space<hbm>>, %arg8: memref<10000x128xf32, #tpu.memory_space<hbm>>, %arg9: memref<2x10000x128xf32, #tpu.memory_space<hbm>>, %arg10: memref<80x128xf32, #tpu.memory_space<vmem>>, %arg11: memref<80x128xf32, #tpu.memory_space<vmem>>, %arg12: memref<80xi32, #tpu.memory_space<vmem>>, %arg13: memref<80xi32, #tpu.memory_space<vmem>>, %arg14: memref<128xf32, #tpu.memory_space<vmem>>, %arg15: memref<208x128xf32, #tpu.memory_space<vmem>>, %arg16: memref<10000x128xf32, #tpu.memory_space<vmem_shared>>, %arg17: memref<!tpu.dma_semaphore, #tpu.memory_space<semaphore_mem>>, %arg18: memref<!tpu.dma_semaphore, #tpu.memory_space<semaphore_mem>>, %arg19: memref<!tpu.dma_semaphore, #tpu.memory_space<semaphore_mem>>) attributes {dimension_semantics = [#tpu.dimension_semantics<core_parallel>, #tpu.dimension_semantics<subcore_parallel>], iteration_bounds = array<i64: 2, 16>, scalar_prefetch = 0 : i64, scratch_operands = 10 : i64, tpu.core_type = #tpu.core_type<sc_vector_subcore>, window_params = [{transform_indices = #map}, {transform_indices = #map}, {transform_indices = #map1}, {transform_indices = #map1}, {transform_indices = #map1}, {transform_indices = #map}, {transform_indices = #map}, {transform_indices = #map2}]} {
    %mul3A = arith.constant 2 : i32
    %mul3A_0 = arith.muli %arg1, %mul3A : i32
    %add3A = arith.addi %mul3A_0, %arg0 : i32
    %broadcast_in_dim3A = arith.constant 0.000000e+00 : f32
    %broadcast_in_dim3A_1 = vector.broadcast %broadcast_in_dim3A : f32 to vector<16xf32>
    %scan3A = arith.constant 0 : i32
    %scan3A_2 = arith.constant 0 : i32
    %scan3A_3 = arith.constant 208 : i32
    %scan3A_4 = arith.addi %scan3A_2, %scan3A_3 : i32
    %scan3A_5 = arith.constant 1 : i32
    scf.for %scan3A_46 = %scan3A_2 to %scan3A_4 step %scan3A_5  : i32 {
      %swap3A = arith.index_cast %scan3A_46 : i32 to index
      %swap3A_47 = arith.constant 0 : index
      %swap3A_48 = tpu.vector_load %arg15[%swap3A, %swap3A_47] {strides = array<i32>} : memref<208x128xf32, #tpu.memory_space<vmem>>, vector<1x16xf32>,
      %swap3A_49 = vector.shape_cast %swap3A_48 : vector<1x16xf32> to vector<16xf32>
      %swap3A_50 = vector.shape_cast %broadcast_in_dim3A_1 : vector<16xf32> to vector<1x16xf32>
      tpu.vector_store %arg15[%swap3A, %swap3A_47], %swap3A_50 {strides = array<i32>} : memref<208x128xf32, #tpu.memory_space<vmem>>, vector<1x16xf32>,
      %swap3A_51 = arith.index_cast %scan3A_46 : i32 to index
      %swap3A_52 = arith.constant 16 : index
      %swap3A_53 = tpu.vector_load %arg15[%swap3A_51, %swap3A_52] {strides = array<i32>} : memref<208x128xf32, #tpu.memory_space<vmem>>, vector<1x16xf32>,
      %swap3A_54 = vector.shape_cast %swap3A_53 : vector<1x16xf32> to vector<16xf32>
      %swap3A_55 = vector.shape_cast %broadcast_in_dim3A_1 : vector<16xf32> to vector<1x16xf32>
      tpu.vector_store %arg15[%swap3A_51, %swap3A_52], %swap3A_55 {strides = array<i32>} : memref<208x128xf32, #tpu.memory_space<vmem>>, vector<1x16xf32>,
      %swap3A_56 = arith.index_cast %scan3A_46 : i32 to index
      %swap3A_57 = arith.constant 32 : index
      %swap3A_58 = tpu.vector_load %arg15[%swap3A_56, %swap3A_57] {strides = array<i32>} : memref<208x128xf32, #tpu.memory_space<vmem>>, vector<1x16xf32>,
      %swap3A_59 = vector.shape_cast %swap3A_58 : vector<1x16xf32> to vector<16xf32>
      %swap3A_60 = vector.shape_cast %broadcast_in_dim3A_1 : vector<16xf32> to vector<1x16xf32>
      tpu.vector_store %arg15[%swap3A_56, %swap3A_57], %swap3A_60 {strides = array<i32>} : memref<208x128xf32, #tpu.memory_space<vmem>>, vector<1x16xf32>,
      %swap3A_61 = arith.index_cast %scan3A_46 : i32 to index
      %swap3A_62 = arith.constant 48 : index
      %swap3A_63 = tpu.vector_load %arg15[%swap3A_61, %swap3A_62] {strides = array<i32>} : memref<208x128xf32, #tpu.memory_space<vmem>>, vector<1x16xf32>,
      %swap3A_64 = vector.shape_cast %swap3A_63 : vector<1x16xf32> to vector<16xf32>
      %swap3A_65 = vector.shape_cast %broadcast_in_dim3A_1 : vector<16xf32> to vector<1x16xf32>
      tpu.vector_store %arg15[%swap3A_61, %swap3A_62], %swap3A_65 {strides = array<i32>} : memref<208x128xf32, #tpu.memory_space<vmem>>, vector<1x16xf32>,
      %swap3A_66 = arith.index_cast %scan3A_46 : i32 to index
      %swap3A_67 = arith.constant 64 : index
      %swap3A_68 = tpu.vector_load %arg15[%swap3A_66, %swap3A_67] {strides = array<i32>} : memref<208x128xf32, #tpu.memory_space<vmem>>, vector<1x16xf32>,
      %swap3A_69 = vector.shape_cast %swap3A_68 : vector<1x16xf32> to vector<16xf32>
      %swap3A_70 = vector.shape_cast %broadcast_in_dim3A_1 : vector<16xf32> to vector<1x16xf32>
      tpu.vector_store %arg15[%swap3A_66, %swap3A_67], %swap3A_70 {strides = array<i32>} : memref<208x128xf32, #tpu.memory_space<vmem>>, vector<1x16xf32>,
      %swap3A_71 = arith.index_cast %scan3A_46 : i32 to index
      %swap3A_72 = arith.constant 80 : index
      %swap3A_73 = tpu.vector_load %arg15[%swap3A_71, %swap3A_72] {strides = array<i32>} : memref<208x128xf32, #tpu.memory_space<vmem>>, vector<1x16xf32>,
      %swap3A_74 = vector.shape_cast %swap3A_73 : vector<1x16xf32> to vector<16xf32>
      %swap3A_75 = vector.shape_cast %broadcast_in_dim3A_1 : vector<16xf32> to vector<1x16xf32>
      tpu.vector_store %arg15[%swap3A_71, %swap3A_72], %swap3A_75 {strides = array<i32>} : memref<208x128xf32, #tpu.memory_space<vmem>>, vector<1x16xf32>,
      %swap3A_76 = arith.index_cast %scan3A_46 : i32 to index
      %swap3A_77 = arith.constant 96 : index
      %swap3A_78 = tpu.vector_load %arg15[%swap3A_76, %swap3A_77] {strides = array<i32>} : memref<208x128xf32, #tpu.memory_space<vmem>>, vector<1x16xf32>,
      %swap3A_79 = vector.shape_cast %swap3A_78 : vector<1x16xf32> to vector<16xf32>
      %swap3A_80 = vector.shape_cast %broadcast_in_dim3A_1 : vector<16xf32> to vector<1x16xf32>
      tpu.vector_store %arg15[%swap3A_76, %swap3A_77], %swap3A_80 {strides = array<i32>} : memref<208x128xf32, #tpu.memory_space<vmem>>, vector<1x16xf32>,
      %swap3A_81 = arith.index_cast %scan3A_46 : i32 to index
      %swap3A_82 = arith.constant 112 : index
      %swap3A_83 = tpu.vector_load %arg15[%swap3A_81, %swap3A_82] {strides = array<i32>} : memref<208x128xf32, #tpu.memory_space<vmem>>, vector<1x16xf32>,
      %swap3A_84 = vector.shape_cast %swap3A_83 : vector<1x16xf32> to vector<16xf32>
      %swap3A_85 = vector.shape_cast %broadcast_in_dim3A_1 : vector<16xf32> to vector<1x16xf32>
      tpu.vector_store %arg15[%swap3A_81, %swap3A_82], %swap3A_85 {strides = array<i32>} : memref<208x128xf32, #tpu.memory_space<vmem>>, vector<1x16xf32>,
    }
    %scan3A_6 = arith.constant 208 : i32
    %mul3A_7 = arith.constant 624 : i32
    %mul3A_8 = arith.muli %arg1, %mul3A_7 : i32
    %add3A_9 = arith.constant 0 : i32
    %add3A_10 = arith.addi %mul3A_8, %add3A_9 : i32
    "tpu.region"() ({
      %run_scoped3A = tpu.sem_alloc : memref<!tpu.dma_semaphore, #tpu.memory_space<semaphore_mem>>
      %dma_start3A = arith.constant 0 : i32
      %dma_start3A_46 = tpu.memref_slice %arg16[%add3A_10, %dma_start3A] : memref<10000x128xf32, #tpu.memory_space<vmem_shared>> -> memref<208x128xf32, #tpu.memory_space<vmem_shared>>
      %dma_start3A_47 = arith.constant 0 : i32
      %dma_start3A_48 = tpu.memref_slice %arg16[%add3A_10, %dma_start3A_47] : memref<10000x128xf32, #tpu.memory_space<vmem_shared>> -> memref<208x128xf32, #tpu.memory_space<vmem_shared>>
      tpu.enqueue_dma source(%arg15 : memref<208x128xf32, #tpu.memory_space<vmem>>) target(%dma_start3A_48 : memref<208x128xf32, #tpu.memory_space<vmem_shared>>) target_semaphore(%run_scoped3A : memref<!tpu.dma_semaphore, #tpu.memory_space<semaphore_mem>>)
      %dma_wait3A = arith.constant 0 : i32
      %dma_wait3A_49 = tpu.memref_slice %arg16[%add3A_10, %dma_wait3A] : memref<10000x128xf32, #tpu.memory_space<vmem_shared>> -> memref<208x128xf32, #tpu.memory_space<vmem_shared>>
      %dma_wait3A_50 = arith.constant 0 : i32
      %dma_wait3A_51 = tpu.memref_slice %arg16[%add3A_10, %dma_wait3A_50] : memref<10000x128xf32, #tpu.memory_space<vmem_shared>> -> memref<208x128xf32, #tpu.memory_space<vmem_shared>>
      tpu.wait_dma2 semaphore(%run_scoped3A : memref<!tpu.dma_semaphore, #tpu.memory_space<semaphore_mem>>) src(%arg15 : memref<208x128xf32, #tpu.memory_space<vmem>>) dst(%dma_wait3A_51 : memref<208x128xf32, #tpu.memory_space<vmem_shared>>)
      tpu.yield
    }) : () -> ()
    %mul3A_11 = arith.constant 624 : i32
    %mul3A_12 = arith.muli %arg1, %mul3A_11 : i32
    %add3A_13 = arith.constant 208 : i32
    %add3A_14 = arith.addi %mul3A_12, %add3A_13 : i32
    "tpu.region"() ({
      %run_scoped3A = tpu.sem_alloc : memref<!tpu.dma_semaphore, #tpu.memory_space<semaphore_mem>>
      %dma_start3A = arith.constant 0 : i32
      %dma_start3A_46 = tpu.memref_slice %arg16[%add3A_14, %dma_start3A] : memref<10000x128xf32, #tpu.memory_space<vmem_shared>> -> memref<208x128xf32, #tpu.memory_space<vmem_shared>>
      %dma_start3A_47 = arith.constant 0 : i32
      %dma_start3A_48 = tpu.memref_slice %arg16[%add3A_14, %dma_start3A_47] : memref<10000x128xf32, #tpu.memory_space<vmem_shared>> -> memref<208x128xf32, #tpu.memory_space<vmem_shared>>
      tpu.enqueue_dma source(%arg15 : memref<208x128xf32, #tpu.memory_space<vmem>>) target(%dma_start3A_48 : memref<208x128xf32, #tpu.memory_space<vmem_shared>>) target_semaphore(%run_scoped3A : memref<!tpu.dma_semaphore, #tpu.memory_space<semaphore_mem>>)
      %dma_wait3A = arith.constant 0 : i32
      %dma_wait3A_49 = tpu.memref_slice %arg16[%add3A_14, %dma_wait3A] : memref<10000x128xf32, #tpu.memory_space<vmem_shared>> -> memref<208x128xf32, #tpu.memory_space<vmem_shared>>
      %dma_wait3A_50 = arith.constant 0 : i32
      %dma_wait3A_51 = tpu.memref_slice %arg16[%add3A_14, %dma_wait3A_50] : memref<10000x128xf32, #tpu.memory_space<vmem_shared>> -> memref<208x128xf32, #tpu.memory_space<vmem_shared>>
      tpu.wait_dma2 semaphore(%run_scoped3A : memref<!tpu.dma_semaphore, #tpu.memory_space<semaphore_mem>>) src(%arg15 : memref<208x128xf32, #tpu.memory_space<vmem>>) dst(%dma_wait3A_51 : memref<208x128xf32, #tpu.memory_space<vmem_shared>>)
      tpu.yield
    }) : () -> ()
    %mul3A_15 = arith.constant 624 : i32
    %mul3A_16 = arith.muli %arg1, %mul3A_15 : i32
    %add3A_17 = arith.constant 416 : i32
    %add3A_18 = arith.addi %mul3A_16, %add3A_17 : i32
    "tpu.region"() ({
      %run_scoped3A = tpu.sem_alloc : memref<!tpu.dma_semaphore, #tpu.memory_space<semaphore_mem>>
      %dma_start3A = arith.constant 0 : i32
      %dma_start3A_46 = tpu.memref_slice %arg16[%add3A_18, %dma_start3A] : memref<10000x128xf32, #tpu.memory_space<vmem_shared>> -> memref<208x128xf32, #tpu.memory_space<vmem_shared>>
      %dma_start3A_47 = arith.constant 0 : i32
      %dma_start3A_48 = tpu.memref_slice %arg16[%add3A_18, %dma_start3A_47] : memref<10000x128xf32, #tpu.memory_space<vmem_shared>> -> memref<208x128xf32, #tpu.memory_space<vmem_shared>>
      tpu.enqueue_dma source(%arg15 : memref<208x128xf32, #tpu.memory_space<vmem>>) target(%dma_start3A_48 : memref<208x128xf32, #tpu.memory_space<vmem_shared>>) target_semaphore(%run_scoped3A : memref<!tpu.dma_semaphore, #tpu.memory_space<semaphore_mem>>)
      %dma_wait3A = arith.constant 0 : i32
      %dma_wait3A_49 = tpu.memref_slice %arg16[%add3A_18, %dma_wait3A] : memref<10000x128xf32, #tpu.memory_space<vmem_shared>> -> memref<208x128xf32, #tpu.memory_space<vmem_shared>>
      %dma_wait3A_50 = arith.constant 0 : i32
      %dma_wait3A_51 = tpu.memref_slice %arg16[%add3A_18, %dma_wait3A_50] : memref<10000x128xf32, #tpu.memory_space<vmem_shared>> -> memref<208x128xf32, #tpu.memory_space<vmem_shared>>
      tpu.wait_dma2 semaphore(%run_scoped3A : memref<!tpu.dma_semaphore, #tpu.memory_space<semaphore_mem>>) src(%arg15 : memref<208x128xf32, #tpu.memory_space<vmem>>) dst(%dma_wait3A_51 : memref<208x128xf32, #tpu.memory_space<vmem_shared>>)
      tpu.yield
    }) : () -> ()
    %eq3A = arith.constant 0 : i32
    %eq3A_19 = arith.cmpi eq, %arg1, %eq3A : i32
    %convert_element_type3A = arith.extui %eq3A_19 : i1 to i32
    %cond3A = arith.constant 0 : i32
    %cond3A_20 = arith.cmpi ne, %convert_element_type3A, %cond3A : i32
    scf.if %cond3A_20 {
      "tpu.region"() ({
        %run_scoped3A = tpu.sem_alloc : memref<!tpu.dma_semaphore, #tpu.memory_space<semaphore_mem>>
        %dma_start3A = arith.constant 0 : i32
        %dma_start3A_46 = arith.constant 0 : i32
        %dma_start3A_47 = tpu.memref_slice %arg15[%dma_start3A, %dma_start3A_46] : memref<208x128xf32, #tpu.memory_space<vmem>> -> memref<16x128xf32, #tpu.memory_space<vmem>>
        %dma_start3A_48 = arith.constant 9984 : i32
        %dma_start3A_49 = arith.constant 0 : i32
        %dma_start3A_50 = tpu.memref_slice %arg16[%dma_start3A_48, %dma_start3A_49] : memref<10000x128xf32, #tpu.memory_space<vmem_shared>> -> memref<16x128xf32, #tpu.memory_space<vmem_shared>>
        %dma_start3A_51 = arith.constant 9984 : i32
        %dma_start3A_52 = arith.constant 0 : i32
        %dma_start3A_53 = tpu.memref_slice %arg16[%dma_start3A_51, %dma_start3A_52] : memref<10000x128xf32, #tpu.memory_space<vmem_shared>> -> memref<16x128xf32, #tpu.memory_space<vmem_shared>>
        %dma_start3A_54 = arith.constant 0 : i32
        %dma_start3A_55 = arith.constant 0 : i32
        %dma_start3A_56 = tpu.memref_slice %arg15[%dma_start3A_54, %dma_start3A_55] : memref<208x128xf32, #tpu.memory_space<vmem>> -> memref<16x128xf32, #tpu.memory_space<vmem>>
        tpu.enqueue_dma source(%dma_start3A_56 : memref<16x128xf32, #tpu.memory_space<vmem>>) target(%dma_start3A_53 : memref<16x128xf32, #tpu.memory_space<vmem_shared>>) target_semaphore(%run_scoped3A : memref<!tpu.dma_semaphore, #tpu.memory_space<semaphore_mem>>)
        %dma_wait3A = arith.constant 0 : i32
        %dma_wait3A_57 = arith.constant 0 : i32
        %dma_wait3A_58 = tpu.memref_slice %arg15[%dma_wait3A, %dma_wait3A_57] : memref<208x128xf32, #tpu.memory_space<vmem>> -> memref<16x128xf32, #tpu.memory_space<vmem>>
        %dma_wait3A_59 = arith.constant 9984 : i32
        %dma_wait3A_60 = arith.constant 0 : i32
        %dma_wait3A_61 = tpu.memref_slice %arg16[%dma_wait3A_59, %dma_wait3A_60] : memref<10000x128xf32, #tpu.memory_space<vmem_shared>> -> memref<16x128xf32, #tpu.memory_space<vmem_shared>>
        %dma_wait3A_62 = arith.constant 9984 : i32
        %dma_wait3A_63 = arith.constant 0 : i32
        %dma_wait3A_64 = tpu.memref_slice %arg16[%dma_wait3A_62, %dma_wait3A_63] : memref<10000x128xf32, #tpu.memory_space<vmem_shared>> -> memref<16x128xf32, #tpu.memory_space<vmem_shared>>
        %dma_wait3A_65 = arith.constant 0 : i32
        %dma_wait3A_66 = arith.constant 0 : i32
        %dma_wait3A_67 = tpu.memref_slice %arg15[%dma_wait3A_65, %dma_wait3A_66] : memref<208x128xf32, #tpu.memory_space<vmem>> -> memref<16x128xf32, #tpu.memory_space<vmem>>
        tpu.wait_dma2 semaphore(%run_scoped3A : memref<!tpu.dma_semaphore, #tpu.memory_space<semaphore_mem>>) src(%dma_wait3A_67 : memref<16x128xf32, #tpu.memory_space<vmem>>) dst(%dma_wait3A_64 : memref<16x128xf32, #tpu.memory_space<vmem_shared>>)
        tpu.yield
      }) : () -> ()
    } else {
    }
    "tpu.region"() ({
      %run_scoped3A = tpu.sem_alloc : memref<!tpu.dma_semaphore, #tpu.memory_space<semaphore_mem>>
      tpu.enqueue_dma source(%arg6 : memref<128xf32, #tpu.memory_space<hbm>>) target(%arg14 : memref<128xf32, #tpu.memory_space<vmem>>) target_semaphore(%run_scoped3A : memref<!tpu.dma_semaphore, #tpu.memory_space<semaphore_mem>>)
      tpu.wait_dma2 semaphore(%run_scoped3A : memref<!tpu.dma_semaphore, #tpu.memory_space<semaphore_mem>>) src(%arg6 : memref<128xf32, #tpu.memory_space<hbm>>) dst(%arg14 : memref<128xf32, #tpu.memory_space<vmem>>)
      tpu.yield
    }) : () -> ()
    %barrier3A = arith.constant 0 : index
    tpu.barrier barrier_id(%barrier3A)
    %scan3A_21 = arith.constant 0 : i32
    %scan3A_22 = arith.constant 0.707106769 : f32
    %scan3A_23 = arith.constant 0 : i32
    %scan3A_24 = arith.constant 129 : i32
    %scan3A_25 = arith.addi %scan3A_23, %scan3A_24 : i32
    %scan3A_26 = arith.constant 1 : i32
    scf.for %scan3A_46 = %scan3A_23 to %scan3A_25 step %scan3A_26  : i32 {
      %mul3A_47 = arith.constant 32 : i32
      %mul3A_48 = arith.muli %scan3A_46, %mul3A_47 : i32
      %add3A_49 = arith.addi %mul3A_48, %add3A : i32
      %lt3A = arith.constant 4125 : i32
      %lt3A_50 = arith.cmpi slt, %add3A_49, %lt3A : i32
      %convert_element_type3A_51 = arith.extui %lt3A_50 : i1 to i32
      %cond3A_52 = arith.constant 0 : i32
      %cond3A_53 = arith.cmpi ne, %convert_element_type3A_51, %cond3A_52 : i32
      scf.if %cond3A_53 {
        %mul3A_54 = arith.constant 80 : i32
        %mul3A_55 = arith.muli %add3A_49, %mul3A_54 : i32
        %lt3A_56 = arith.constant 125 : i32
        %lt3A_57 = arith.cmpi slt, %add3A_49, %lt3A_56 : i32
        %ge3A = arith.constant 4000 : i32
        %ge3A_58 = arith.cmpi sge, %add3A_49, %ge3A : i32
        %not3A = arith.constant true
        %not3A_59 = arith.xori %lt3A_57, %not3A : i1
        %not3A_60 = arith.constant true
        %not3A_61 = arith.xori %ge3A_58, %not3A_60 : i1
        %and3A = arith.andi %not3A_59, %not3A_61 : i1
        %gt3A = arith.constant 0 : i32
        %gt3A_62 = arith.cmpi sgt, %scan3A_46, %gt3A : i32
        %convert_element_type3A_63 = arith.extui %gt3A_62 : i1 to i32
        %cond3A_64 = arith.constant 0 : i32
        %cond3A_65 = arith.cmpi ne, %convert_element_type3A_63, %cond3A_64 : i32
        scf.if %cond3A_65 {
          %dma_wait3A = arith.constant 0 : i32
          %dma_wait3A_88 = arith.constant 0 : i32
          %dma_wait3A_89 = tpu.memref_slice %arg7[%dma_wait3A, %dma_wait3A_88] : memref<320000x128xf32, #tpu.memory_space<hbm>> -> memref<80x128xf32, #tpu.memory_space<hbm>>
          %dma_wait3A_90 = arith.constant 0 : i32
          %dma_wait3A_91 = arith.constant 0 : i32
          %dma_wait3A_92 = tpu.memref_slice %arg7[%dma_wait3A_90, %dma_wait3A_91] : memref<320000x128xf32, #tpu.memory_space<hbm>> -> memref<80x128xf32, #tpu.memory_space<hbm>>
          tpu.wait_dma2 semaphore(%arg19 : memref<!tpu.dma_semaphore, #tpu.memory_space<semaphore_mem>>) src(%arg11 : memref<80x128xf32, #tpu.memory_space<vmem>>) dst(%dma_wait3A_92 : memref<80x128xf32, #tpu.memory_space<hbm>>)
        } else {
        }
        %convert_element_type3A_66 = arith.extui %lt3A_57 : i1 to i32
        %cond3A_67 = arith.constant 0 : i32
        %cond3A_68 = arith.cmpi ne, %convert_element_type3A_66, %cond3A_67 : i32
        scf.if %cond3A_68 {
          "tpu.region"() ({
            %run_scoped3A = tpu.sem_alloc : memref<!tpu.dma_semaphore, #tpu.memory_space<semaphore_mem>>
            %dma_start3A = arith.constant 0 : i32
            %dma_start3A_88 = tpu.memref_slice %arg2[%mul3A_55, %dma_start3A] : memref<10000x128xf32, #tpu.memory_space<hbm>> -> memref<80x128xf32, #tpu.memory_space<hbm>>
            %dma_start3A_89 = arith.constant 0 : i32
            %dma_start3A_90 = tpu.memref_slice %arg2[%mul3A_55, %dma_start3A_89] : memref<10000x128xf32, #tpu.memory_space<hbm>> -> memref<80x128xf32, #tpu.memory_space<hbm>>
            tpu.enqueue_dma source(%dma_start3A_90 : memref<80x128xf32, #tpu.memory_space<hbm>>) target(%arg10 : memref<80x128xf32, #tpu.memory_space<vmem>>) target_semaphore(%run_scoped3A : memref<!tpu.dma_semaphore, #tpu.memory_space<semaphore_mem>>)
            %dma_wait3A = arith.constant 0 : i32
            %dma_wait3A_91 = tpu.memref_slice %arg2[%mul3A_55, %dma_wait3A] : memref<10000x128xf32, #tpu.memory_space<hbm>> -> memref<80x128xf32, #tpu.memory_space<hbm>>
            %dma_wait3A_92 = arith.constant 0 : i32
            %dma_wait3A_93 = tpu.memref_slice %arg2[%mul3A_55, %dma_wait3A_92] : memref<10000x128xf32, #tpu.memory_space<hbm>> -> memref<80x128xf32, #tpu.memory_space<hbm>>
            tpu.wait_dma2 semaphore(%run_scoped3A : memref<!tpu.dma_semaphore, #tpu.memory_space<semaphore_mem>>) src(%dma_wait3A_93 : memref<80x128xf32, #tpu.memory_space<hbm>>) dst(%arg10 : memref<80x128xf32, #tpu.memory_space<vmem>>)
            tpu.yield
          }) : () -> ()
        } else {
        }
        %not3A_69 = arith.constant true
        %not3A_70 = arith.xori %lt3A_57, %not3A_69 : i1
        %convert_element_type3A_71 = arith.extui %not3A_70 : i1 to i32
        %cond3A_72 = arith.constant 0 : i32
        %cond3A_73 = arith.cmpi ne, %convert_element_type3A_71, %cond3A_72 : i32
        scf.if %cond3A_73 {
          %sub3A = arith.constant 10000 : i32
          %sub3A_88 = arith.subi %mul3A_55, %sub3A : i32
          "tpu.region"() ({
            %run_scoped3A = tpu.sem_alloc : memref<!tpu.dma_semaphore, #tpu.memory_space<semaphore_mem>>
            %dma_start3A = arith.constant 0 : i32
            %dma_start3A_89 = tpu.memref_slice %arg3[%sub3A_88, %dma_start3A] : memref<320000x128xf32, #tpu.memory_space<hbm>> -> memref<80x128xf32, #tpu.memory_space<hbm>>
            %dma_start3A_90 = arith.constant 0 : i32
            %dma_start3A_91 = tpu.memref_slice %arg3[%sub3A_88, %dma_start3A_90] : memref<320000x128xf32, #tpu.memory_space<hbm>> -> memref<80x128xf32, #tpu.memory_space<hbm>>
            tpu.enqueue_dma source(%dma_start3A_91 : memref<80x128xf32, #tpu.memory_space<hbm>>) target(%arg10 : memref<80x128xf32, #tpu.memory_space<vmem>>) target_semaphore(%run_scoped3A : memref<!tpu.dma_semaphore, #tpu.memory_space<semaphore_mem>>)
            %dma_wait3A = arith.constant 0 : i32
            %dma_wait3A_92 = tpu.memref_slice %arg3[%sub3A_88, %dma_wait3A] : memref<320000x128xf32, #tpu.memory_space<hbm>> -> memref<80x128xf32, #tpu.memory_space<hbm>>
            %dma_wait3A_93 = arith.constant 0 : i32
            %dma_wait3A_94 = tpu.memref_slice %arg3[%sub3A_88, %dma_wait3A_93] : memref<320000x128xf32, #tpu.memory_space<hbm>> -> memref<80x128xf32, #tpu.memory_space<hbm>>
            tpu.wait_dma2 semaphore(%run_scoped3A : memref<!tpu.dma_semaphore, #tpu.memory_space<semaphore_mem>>) src(%dma_wait3A_94 : memref<80x128xf32, #tpu.memory_space<hbm>>) dst(%arg10 : memref<80x128xf32, #tpu.memory_space<vmem>>)
            tpu.yield
          }) : () -> ()
        } else {
        }
        %not3A_74 = arith.constant true
        %not3A_75 = arith.xori %ge3A_58, %not3A_74 : i1
        %convert_element_type3A_76 = arith.extui %not3A_75 : i1 to i32
        %cond3A_77 = arith.constant 0 : i32
        %cond3A_78 = arith.cmpi ne, %convert_element_type3A_76, %cond3A_77 : i32
        scf.if %cond3A_78 {
          %dma_start3A = tpu.memref_slice %arg4[%mul3A_55] : memref<320000xi32, #tpu.memory_space<hbm>> -> memref<80xi32, #tpu.memory_space<hbm>>
          %dma_start3A_88 = tpu.memref_slice %arg4[%mul3A_55] : memref<320000xi32, #tpu.memory_space<hbm>> -> memref<80xi32, #tpu.memory_space<hbm>>
          tpu.enqueue_dma source(%dma_start3A_88 : memref<80xi32, #tpu.memory_space<hbm>>) target(%arg12 : memref<80xi32, #tpu.memory_space<vmem>>) target_semaphore(%arg18 : memref<!tpu.dma_semaphore, #tpu.memory_space<semaphore_mem>>)
          %dma_start3A_89 = tpu.memref_slice %arg5[%mul3A_55] : memref<320000xi32, #tpu.memory_space<hbm>> -> memref<80xi32, #tpu.memory_space<hbm>>
          %dma_start3A_90 = tpu.memref_slice %arg5[%mul3A_55] : memref<320000xi32, #tpu.memory_space<hbm>> -> memref<80xi32, #tpu.memory_space<hbm>>
          tpu.enqueue_dma source(%dma_start3A_90 : memref<80xi32, #tpu.memory_space<hbm>>) target(%arg13 : memref<80xi32, #tpu.memory_space<vmem>>) target_semaphore(%arg18 : memref<!tpu.dma_semaphore, #tpu.memory_space<semaphore_mem>>)
          %dma_wait3A = tpu.memref_slice %arg4[%mul3A_55] : memref<320000xi32, #tpu.memory_space<hbm>> -> memref<80xi32, #tpu.memory_space<hbm>>
          %dma_wait3A_91 = tpu.memref_slice %arg4[%mul3A_55] : memref<320000xi32, #tpu.memory_space<hbm>> -> memref<80xi32, #tpu.memory_space<hbm>>
          tpu.wait_dma2 semaphore(%arg18 : memref<!tpu.dma_semaphore, #tpu.memory_space<semaphore_mem>>) src(%dma_wait3A_91 : memref<80xi32, #tpu.memory_space<hbm>>) dst(%arg12 : memref<80xi32, #tpu.memory_space<vmem>>)
          %dma_wait3A_92 = tpu.memref_slice %arg5[%mul3A_55] : memref<320000xi32, #tpu.memory_space<hbm>> -> memref<80xi32, #tpu.memory_space<hbm>>
          %dma_wait3A_93 = tpu.memref_slice %arg5[%mul3A_55] : memref<320000xi32, #tpu.memory_space<hbm>> -> memref<80xi32, #tpu.memory_space<hbm>>
          tpu.wait_dma2 semaphore(%arg18 : memref<!tpu.dma_semaphore, #tpu.memory_space<semaphore_mem>>) src(%dma_wait3A_93 : memref<80xi32, #tpu.memory_space<hbm>>) dst(%arg13 : memref<80xi32, #tpu.memory_space<vmem>>)
          %dma_start3A_94 = arith.constant 0 : i32
          %dma_start3A_95 = arith.constant 0 : i32
          %dma_start3A_96 = tpu.memref_slice %arg2[%dma_start3A_94, %dma_start3A_95] : memref<10000x128xf32, #tpu.memory_space<hbm>> -> memref<10000x128xf32, #tpu.memory_space<hbm>>
          tpu.enqueue_indirect_dma source(%dma_start3A_96 : memref<10000x128xf32, #tpu.memory_space<hbm>>) target(%arg11 : memref<80x128xf32, #tpu.memory_space<vmem>>) offsets(%arg12 : memref<80xi32, #tpu.memory_space<vmem>>) semaphore(%arg17 : memref<!tpu.dma_semaphore, #tpu.memory_space<semaphore_mem>>)
          %dma_wait3A_97 = arith.constant 0 : i32
          %dma_wait3A_98 = arith.constant 0 : i32
          %dma_wait3A_99 = tpu.memref_slice %arg2[%dma_wait3A_97, %dma_wait3A_98] : memref<10000x128xf32, #tpu.memory_space<hbm>> -> memref<10000x128xf32, #tpu.memory_space<hbm>>
          tpu.wait_indirect_dma semaphore(%arg17 : memref<!tpu.dma_semaphore, #tpu.memory_space<semaphore_mem>>) src(%dma_wait3A_99 : memref<10000x128xf32, #tpu.memory_space<hbm>>) dst(%arg11 : memref<80x128xf32, #tpu.memory_space<vmem>>)
          "tpu.region"() ({
            %run_scoped3A = tpu.sem_alloc : memref<!tpu.dma_semaphore, #tpu.memory_space<semaphore_mem>>
            %dma_start3A_100 = arith.constant 0 : i32
            %dma_start3A_101 = arith.constant 0 : i32
            %dma_start3A_102 = tpu.memref_slice %arg16[%dma_start3A_100, %dma_start3A_101] : memref<10000x128xf32, #tpu.memory_space<vmem_shared>> -> memref<10000x128xf32, #tpu.memory_space<vmem_shared>>
            tpu.enqueue_indirect_dma source(%arg10 : memref<80x128xf32, #tpu.memory_space<vmem>>) target(%dma_start3A_102 : memref<10000x128xf32, #tpu.memory_space<vmem_shared>>) offsets(%arg13 : memref<80xi32, #tpu.memory_space<vmem>>) semaphore(%run_scoped3A : memref<!tpu.dma_semaphore, #tpu.memory_space<semaphore_mem>>) {add = true}
            %dma_wait3A_103 = arith.constant 0 : i32
            %dma_wait3A_104 = arith.constant 0 : i32
            %dma_wait3A_105 = tpu.memref_slice %arg16[%dma_wait3A_103, %dma_wait3A_104] : memref<10000x128xf32, #tpu.memory_space<vmem_shared>> -> memref<10000x128xf32, #tpu.memory_space<vmem_shared>>
            tpu.wait_indirect_dma semaphore(%run_scoped3A : memref<!tpu.dma_semaphore, #tpu.memory_space<semaphore_mem>>) src(%arg10 : memref<80x128xf32, #tpu.memory_space<vmem>>) dst(%dma_wait3A_105 : memref<10000x128xf32, #tpu.memory_space<vmem_shared>>)
            tpu.yield
          }) : () -> ()
        } else {
        }
        %convert_element_type3A_79 = arith.extui %lt3A_57 : i1 to i32
        %cond3A_80 = arith.constant 0 : i32
        %cond3A_81 = arith.cmpi ne, %convert_element_type3A_79, %cond3A_80 : i32
        scf.if %cond3A_81 {
          %scan3A_88 = arith.constant 0 : i32
          %scan3A_89 = arith.constant 0 : i32
          %scan3A_90 = arith.constant 80 : i32
          %scan3A_91 = arith.addi %scan3A_89, %scan3A_90 : i32
          %scan3A_92 = arith.constant 1 : i32
          scf.for %scan3A_97 = %scan3A_89 to %scan3A_91 step %scan3A_92  : i32 {
            %get3A = arith.index_cast %scan3A_97 : i32 to index
            %get3A_98 = arith.constant 0 : index
            %get3A_99 = tpu.vector_load %arg11[%get3A, %get3A_98] {strides = array<i32>} : memref<80x128xf32, #tpu.memory_space<vmem>>, vector<1x16xf32>,
            %get3A_100 = vector.shape_cast %get3A_99 : vector<1x16xf32> to vector<16xf32>
            %get3A_101 = arith.index_cast %scan3A_97 : i32 to index
            %get3A_102 = arith.constant 0 : index
            %get3A_103 = tpu.vector_load %arg10[%get3A_101, %get3A_102] {strides = array<i32>} : memref<80x128xf32, #tpu.memory_space<vmem>>, vector<1x16xf32>,
            %get3A_104 = vector.shape_cast %get3A_103 : vector<1x16xf32> to vector<16xf32>
            %add3A_105 = arith.addf %get3A_100, %get3A_104 : vector<16xf32>
            %swap3A = arith.index_cast %scan3A_97 : i32 to index
            %swap3A_106 = arith.constant 0 : index
            %swap3A_107 = tpu.vector_load %arg11[%swap3A, %swap3A_106] {strides = array<i32>} : memref<80x128xf32, #tpu.memory_space<vmem>>, vector<1x16xf32>,
            %swap3A_108 = vector.shape_cast %swap3A_107 : vector<1x16xf32> to vector<16xf32>
            %swap3A_109 = vector.shape_cast %add3A_105 : vector<16xf32> to vector<1x16xf32>
            tpu.vector_store %arg11[%swap3A, %swap3A_106], %swap3A_109 {strides = array<i32>} : memref<80x128xf32, #tpu.memory_space<vmem>>, vector<1x16xf32>,
            %get3A_110 = arith.index_cast %scan3A_97 : i32 to index
            %get3A_111 = arith.constant 16 : index
            %get3A_112 = tpu.vector_load %arg11[%get3A_110, %get3A_111] {strides = array<i32>} : memref<80x128xf32, #tpu.memory_space<vmem>>, vector<1x16xf32>,
            %get3A_113 = vector.shape_cast %get3A_112 : vector<1x16xf32> to vector<16xf32>
            %get3A_114 = arith.index_cast %scan3A_97 : i32 to index
            %get3A_115 = arith.constant 16 : index
            %get3A_116 = tpu.vector_load %arg10[%get3A_114, %get3A_115] {strides = array<i32>} : memref<80x128xf32, #tpu.memory_space<vmem>>, vector<1x16xf32>,
            %get3A_117 = vector.shape_cast %get3A_116 : vector<1x16xf32> to vector<16xf32>
            %add3A_118 = arith.addf %get3A_113, %get3A_117 : vector<16xf32>
            %swap3A_119 = arith.index_cast %scan3A_97 : i32 to index
            %swap3A_120 = arith.constant 16 : index
            %swap3A_121 = tpu.vector_load %arg11[%swap3A_119, %swap3A_120] {strides = array<i32>} : memref<80x128xf32, #tpu.memory_space<vmem>>, vector<1x16xf32>,
            %swap3A_122 = vector.shape_cast %swap3A_121 : vector<1x16xf32> to vector<16xf32>
            %swap3A_123 = vector.shape_cast %add3A_118 : vector<16xf32> to vector<1x16xf32>
            tpu.vector_store %arg11[%swap3A_119, %swap3A_120], %swap3A_123 {strides = array<i32>} : memref<80x128xf32, #tpu.memory_space<vmem>>, vector<1x16xf32>,
            %get3A_124 = arith.index_cast %scan3A_97 : i32 to index
            %get3A_125 = arith.constant 32 : index
            %get3A_126 = tpu.vector_load %arg11[%get3A_124, %get3A_125] {strides = array<i32>} : memref<80x128xf32, #tpu.memory_space<vmem>>, vector<1x16xf32>,
            %get3A_127 = vector.shape_cast %get3A_126 : vector<1x16xf32> to vector<16xf32>
            %get3A_128 = arith.index_cast %scan3A_97 : i32 to index
            %get3A_129 = arith.constant 32 : index
            %get3A_130 = tpu.vector_load %arg10[%get3A_128, %get3A_129] {strides = array<i32>} : memref<80x128xf32, #tpu.memory_space<vmem>>, vector<1x16xf32>,
            %get3A_131 = vector.shape_cast %get3A_130 : vector<1x16xf32> to vector<16xf32>
            %add3A_132 = arith.addf %get3A_127, %get3A_131 : vector<16xf32>
            %swap3A_133 = arith.index_cast %scan3A_97 : i32 to index
            %swap3A_134 = arith.constant 32 : index
            %swap3A_135 = tpu.vector_load %arg11[%swap3A_133, %swap3A_134] {strides = array<i32>} : memref<80x128xf32, #tpu.memory_space<vmem>>, vector<1x16xf32>,
            %swap3A_136 = vector.shape_cast %swap3A_135 : vector<1x16xf32> to vector<16xf32>
            %swap3A_137 = vector.shape_cast %add3A_132 : vector<16xf32> to vector<1x16xf32>
            tpu.vector_store %arg11[%swap3A_133, %swap3A_134], %swap3A_137 {strides = array<i32>} : memref<80x128xf32, #tpu.memory_space<vmem>>, vector<1x16xf32>,
            %get3A_138 = arith.index_cast %scan3A_97 : i32 to index
            %get3A_139 = arith.constant 48 : index
            %get3A_140 = tpu.vector_load %arg11[%get3A_138, %get3A_139] {strides = array<i32>} : memref<80x128xf32, #tpu.memory_space<vmem>>, vector<1x16xf32>,
            %get3A_141 = vector.shape_cast %get3A_140 : vector<1x16xf32> to vector<16xf32>
            %get3A_142 = arith.index_cast %scan3A_97 : i32 to index
            %get3A_143 = arith.constant 48 : index
            %get3A_144 = tpu.vector_load %arg10[%get3A_142, %get3A_143] {strides = array<i32>} : memref<80x128xf32, #tpu.memory_space<vmem>>, vector<1x16xf32>,
            %get3A_145 = vector.shape_cast %get3A_144 : vector<1x16xf32> to vector<16xf32>
            %add3A_146 = arith.addf %get3A_141, %get3A_145 : vector<16xf32>
            %swap3A_147 = arith.index_cast %scan3A_97 : i32 to index
            %swap3A_148 = arith.constant 48 : index
            %swap3A_149 = tpu.vector_load %arg11[%swap3A_147, %swap3A_148] {strides = array<i32>} : memref<80x128xf32, #tpu.memory_space<vmem>>, vector<1x16xf32>,
            %swap3A_150 = vector.shape_cast %swap3A_149 : vector<1x16xf32> to vector<16xf32>
            %swap3A_151 = vector.shape_cast %add3A_146 : vector<16xf32> to vector<1x16xf32>
            tpu.vector_store %arg11[%swap3A_147, %swap3A_148], %swap3A_151 {strides = array<i32>} : memref<80x128xf32, #tpu.memory_space<vmem>>, vector<1x16xf32>,
            %get3A_152 = arith.index_cast %scan3A_97 : i32 to index
            %get3A_153 = arith.constant 64 : index
            %get3A_154 = tpu.vector_load %arg11[%get3A_152, %get3A_153] {strides = array<i32>} : memref<80x128xf32, #tpu.memory_space<vmem>>, vector<1x16xf32>,
            %get3A_155 = vector.shape_cast %get3A_154 : vector<1x16xf32> to vector<16xf32>
            %get3A_156 = arith.index_cast %scan3A_97 : i32 to index
            %get3A_157 = arith.constant 64 : index
            %get3A_158 = tpu.vector_load %arg10[%get3A_156, %get3A_157] {strides = array<i32>} : memref<80x128xf32, #tpu.memory_space<vmem>>, vector<1x16xf32>,
            %get3A_159 = vector.shape_cast %get3A_158 : vector<1x16xf32> to vector<16xf32>
            %add3A_160 = arith.addf %get3A_155, %get3A_159 : vector<16xf32>
            %swap3A_161 = arith.index_cast %scan3A_97 : i32 to index
            %swap3A_162 = arith.constant 64 : index
            %swap3A_163 = tpu.vector_load %arg11[%swap3A_161, %swap3A_162] {strides = array<i32>} : memref<80x128xf32, #tpu.memory_space<vmem>>, vector<1x16xf32>,
            %swap3A_164 = vector.shape_cast %swap3A_163 : vector<1x16xf32> to vector<16xf32>
            %swap3A_165 = vector.shape_cast %add3A_160 : vector<16xf32> to vector<1x16xf32>
            tpu.vector_store %arg11[%swap3A_161, %swap3A_162], %swap3A_165 {strides = array<i32>} : memref<80x128xf32, #tpu.memory_space<vmem>>, vector<1x16xf32>,
            %get3A_166 = arith.index_cast %scan3A_97 : i32 to index
            %get3A_167 = arith.constant 80 : index
            %get3A_168 = tpu.vector_load %arg11[%get3A_166, %get3A_167] {strides = array<i32>} : memref<80x128xf32, #tpu.memory_space<vmem>>, vector<1x16xf32>,
            %get3A_169 = vector.shape_cast %get3A_168 : vector<1x16xf32> to vector<16xf32>
            %get3A_170 = arith.index_cast %scan3A_97 : i32 to index
            %get3A_171 = arith.constant 80 : index
            %get3A_172 = tpu.vector_load %arg10[%get3A_170, %get3A_171] {strides = array<i32>} : memref<80x128xf32, #tpu.memory_space<vmem>>, vector<1x16xf32>,
            %get3A_173 = vector.shape_cast %get3A_172 : vector<1x16xf32> to vector<16xf32>
            %add3A_174 = arith.addf %get3A_169, %get3A_173 : vector<16xf32>
            %swap3A_175 = arith.index_cast %scan3A_97 : i32 to index
            %swap3A_176 = arith.constant 80 : index
            %swap3A_177 = tpu.vector_load %arg11[%swap3A_175, %swap3A_176] {strides = array<i32>} : memref<80x128xf32, #tpu.memory_space<vmem>>, vector<1x16xf32>,
            %swap3A_178 = vector.shape_cast %swap3A_177 : vector<1x16xf32> to vector<16xf32>
            %swap3A_179 = vector.shape_cast %add3A_174 : vector<16xf32> to vector<1x16xf32>
            tpu.vector_store %arg11[%swap3A_175, %swap3A_176], %swap3A_179 {strides = array<i32>} : memref<80x128xf32, #tpu.memory_space<vmem>>, vector<1x16xf32>,
            %get3A_180 = arith.index_cast %scan3A_97 : i32 to index
            %get3A_181 = arith.constant 96 : index
            %get3A_182 = tpu.vector_load %arg11[%get3A_180, %get3A_181] {strides = array<i32>} : memref<80x128xf32, #tpu.memory_space<vmem>>, vector<1x16xf32>,
            %get3A_183 = vector.shape_cast %get3A_182 : vector<1x16xf32> to vector<16xf32>
            %get3A_184 = arith.index_cast %scan3A_97 : i32 to index
            %get3A_185 = arith.constant 96 : index
            %get3A_186 = tpu.vector_load %arg10[%get3A_184, %get3A_185] {strides = array<i32>} : memref<80x128xf32, #tpu.memory_space<vmem>>, vector<1x16xf32>,
            %get3A_187 = vector.shape_cast %get3A_186 : vector<1x16xf32> to vector<16xf32>
            %add3A_188 = arith.addf %get3A_183, %get3A_187 : vector<16xf32>
            %swap3A_189 = arith.index_cast %scan3A_97 : i32 to index
            %swap3A_190 = arith.constant 96 : index
            %swap3A_191 = tpu.vector_load %arg11[%swap3A_189, %swap3A_190] {strides = array<i32>} : memref<80x128xf32, #tpu.memory_space<vmem>>, vector<1x16xf32>,
            %swap3A_192 = vector.shape_cast %swap3A_191 : vector<1x16xf32> to vector<16xf32>
            %swap3A_193 = vector.shape_cast %add3A_188 : vector<16xf32> to vector<1x16xf32>
            tpu.vector_store %arg11[%swap3A_189, %swap3A_190], %swap3A_193 {strides = array<i32>} : memref<80x128xf32, #tpu.memory_space<vmem>>, vector<1x16xf32>,
            %get3A_194 = arith.index_cast %scan3A_97 : i32 to index
            %get3A_195 = arith.constant 112 : index
            %get3A_196 = tpu.vector_load %arg11[%get3A_194, %get3A_195] {strides = array<i32>} : memref<80x128xf32, #tpu.memory_space<vmem>>, vector<1x16xf32>,
            %get3A_197 = vector.shape_cast %get3A_196 : vector<1x16xf32> to vector<16xf32>
            %get3A_198 = arith.index_cast %scan3A_97 : i32 to index
            %get3A_199 = arith.constant 112 : index
            %get3A_200 = tpu.vector_load %arg10[%get3A_198, %get3A_199] {strides = array<i32>} : memref<80x128xf32, #tpu.memory_space<vmem>>, vector<1x16xf32>,
            %get3A_201 = vector.shape_cast %get3A_200 : vector<1x16xf32> to vector<16xf32>
            %add3A_202 = arith.addf %get3A_197, %get3A_201 : vector<16xf32>
            %swap3A_203 = arith.index_cast %scan3A_97 : i32 to index
            %swap3A_204 = arith.constant 112 : index
            %swap3A_205 = tpu.vector_load %arg11[%swap3A_203, %swap3A_204] {strides = array<i32>} : memref<80x128xf32, #tpu.memory_space<vmem>>, vector<1x16xf32>,
            %swap3A_206 = vector.shape_cast %swap3A_205 : vector<1x16xf32> to vector<16xf32>
            %swap3A_207 = vector.shape_cast %add3A_202 : vector<16xf32> to vector<1x16xf32>
            tpu.vector_store %arg11[%swap3A_203, %swap3A_204], %swap3A_207 {strides = array<i32>} : memref<80x128xf32, #tpu.memory_space<vmem>>, vector<1x16xf32>,
          }
          %scan3A_93 = arith.constant 80 : i32
          %dma_start3A = arith.constant 0 : i32
          %dma_start3A_94 = tpu.memref_slice %arg8[%mul3A_55, %dma_start3A] : memref<10000x128xf32, #tpu.memory_space<hbm>> -> memref<80x128xf32, #tpu.memory_space<hbm>>
          %dma_start3A_95 = arith.constant 0 : i32
          %dma_start3A_96 = tpu.memref_slice %arg8[%mul3A_55, %dma_start3A_95] : memref<10000x128xf32, #tpu.memory_space<hbm>> -> memref<80x128xf32, #tpu.memory_space<hbm>>
          tpu.enqueue_dma source(%arg11 : memref<80x128xf32, #tpu.memory_space<vmem>>) target(%dma_start3A_96 : memref<80x128xf32, #tpu.memory_space<hbm>>) target_semaphore(%arg19 : memref<!tpu.dma_semaphore, #tpu.memory_space<semaphore_mem>>)
        } else {
        }
        %convert_element_type3A_82 = arith.extui %and3A : i1 to i32
        %cond3A_83 = arith.constant 0 : i32
        %cond3A_84 = arith.cmpi ne, %convert_element_type3A_82, %cond3A_83 : i32
        scf.if %cond3A_84 {
          %scan3A_88 = arith.constant 0 : i32
          %scan3A_89 = arith.constant 0 : i32
          %scan3A_90 = arith.constant 80 : i32
          %scan3A_91 = arith.addi %scan3A_89, %scan3A_90 : i32
          %scan3A_92 = arith.constant 1 : i32
          scf.for %scan3A_98 = %scan3A_89 to %scan3A_91 step %scan3A_92  : i32 {
            %get3A = arith.index_cast %scan3A_98 : i32 to index
            %get3A_99 = arith.constant 0 : index
            %get3A_100 = tpu.vector_load %arg11[%get3A, %get3A_99] {strides = array<i32>} : memref<80x128xf32, #tpu.memory_space<vmem>>, vector<1x16xf32>,
            %get3A_101 = vector.shape_cast %get3A_100 : vector<1x16xf32> to vector<16xf32>
            %get3A_102 = arith.index_cast %scan3A_98 : i32 to index
            %get3A_103 = arith.constant 0 : index
            %get3A_104 = tpu.vector_load %arg10[%get3A_102, %get3A_103] {strides = array<i32>} : memref<80x128xf32, #tpu.memory_space<vmem>>, vector<1x16xf32>,
            %get3A_105 = vector.shape_cast %get3A_104 : vector<1x16xf32> to vector<16xf32>
            %add3A_106 = arith.addf %get3A_101, %get3A_105 : vector<16xf32>
            %mul3A_107 = vector.broadcast %scan3A_22 : f32 to vector<16xf32>
            %mul3A_108 = arith.mulf %add3A_106, %mul3A_107 : vector<16xf32>
            %get3A_109 = arith.constant 0 : index
            %get3A_110 = tpu.vector_load %arg14[%get3A_109] {strides = array<i32>} : memref<128xf32, #tpu.memory_space<vmem>>, vector<16xf32>,
            %get3A_111 = vector.shape_cast %get3A_110 : vector<16xf32> to vector<16xf32>
            %add3A_112 = arith.addf %mul3A_108, %get3A_111 : vector<16xf32>
            %swap3A = arith.index_cast %scan3A_98 : i32 to index
            %swap3A_113 = arith.constant 0 : index
            %swap3A_114 = tpu.vector_load %arg11[%swap3A, %swap3A_113] {strides = array<i32>} : memref<80x128xf32, #tpu.memory_space<vmem>>, vector<1x16xf32>,
            %swap3A_115 = vector.shape_cast %swap3A_114 : vector<1x16xf32> to vector<16xf32>
            %swap3A_116 = vector.shape_cast %add3A_112 : vector<16xf32> to vector<1x16xf32>
            tpu.vector_store %arg11[%swap3A, %swap3A_113], %swap3A_116 {strides = array<i32>} : memref<80x128xf32, #tpu.memory_space<vmem>>, vector<1x16xf32>,
            %get3A_117 = arith.index_cast %scan3A_98 : i32 to index
            %get3A_118 = arith.constant 16 : index
            %get3A_119 = tpu.vector_load %arg11[%get3A_117, %get3A_118] {strides = array<i32>} : memref<80x128xf32, #tpu.memory_space<vmem>>, vector<1x16xf32>,
            %get3A_120 = vector.shape_cast %get3A_119 : vector<1x16xf32> to vector<16xf32>
            %get3A_121 = arith.index_cast %scan3A_98 : i32 to index
            %get3A_122 = arith.constant 16 : index
            %get3A_123 = tpu.vector_load %arg10[%get3A_121, %get3A_122] {strides = array<i32>} : memref<80x128xf32, #tpu.memory_space<vmem>>, vector<1x16xf32>,
            %get3A_124 = vector.shape_cast %get3A_123 : vector<1x16xf32> to vector<16xf32>
            %add3A_125 = arith.addf %get3A_120, %get3A_124 : vector<16xf32>
            %mul3A_126 = vector.broadcast %scan3A_22 : f32 to vector<16xf32>
            %mul3A_127 = arith.mulf %add3A_125, %mul3A_126 : vector<16xf32>
            %get3A_128 = arith.constant 16 : index
            %get3A_129 = tpu.vector_load %arg14[%get3A_128] {strides = array<i32>} : memref<128xf32, #tpu.memory_space<vmem>>, vector<16xf32>,
            %get3A_130 = vector.shape_cast %get3A_129 : vector<16xf32> to vector<16xf32>
            %add3A_131 = arith.addf %mul3A_127, %get3A_130 : vector<16xf32>
            %swap3A_132 = arith.index_cast %scan3A_98 : i32 to index
            %swap3A_133 = arith.constant 16 : index
            %swap3A_134 = tpu.vector_load %arg11[%swap3A_132, %swap3A_133] {strides = array<i32>} : memref<80x128xf32, #tpu.memory_space<vmem>>, vector<1x16xf32>,
            %swap3A_135 = vector.shape_cast %swap3A_134 : vector<1x16xf32> to vector<16xf32>
            %swap3A_136 = vector.shape_cast %add3A_131 : vector<16xf32> to vector<1x16xf32>
            tpu.vector_store %arg11[%swap3A_132, %swap3A_133], %swap3A_136 {strides = array<i32>} : memref<80x128xf32, #tpu.memory_space<vmem>>, vector<1x16xf32>,
            %get3A_137 = arith.index_cast %scan3A_98 : i32 to index
            %get3A_138 = arith.constant 32 : index
            %get3A_139 = tpu.vector_load %arg11[%get3A_137, %get3A_138] {strides = array<i32>} : memref<80x128xf32, #tpu.memory_space<vmem>>, vector<1x16xf32>,
            %get3A_140 = vector.shape_cast %get3A_139 : vector<1x16xf32> to vector<16xf32>
            %get3A_141 = arith.index_cast %scan3A_98 : i32 to index
            %get3A_142 = arith.constant 32 : index
            %get3A_143 = tpu.vector_load %arg10[%get3A_141, %get3A_142] {strides = array<i32>} : memref<80x128xf32, #tpu.memory_space<vmem>>, vector<1x16xf32>,
            %get3A_144 = vector.shape_cast %get3A_143 : vector<1x16xf32> to vector<16xf32>
            %add3A_145 = arith.addf %get3A_140, %get3A_144 : vector<16xf32>
            %mul3A_146 = vector.broadcast %scan3A_22 : f32 to vector<16xf32>
            %mul3A_147 = arith.mulf %add3A_145, %mul3A_146 : vector<16xf32>
            %get3A_148 = arith.constant 32 : index
            %get3A_149 = tpu.vector_load %arg14[%get3A_148] {strides = array<i32>} : memref<128xf32, #tpu.memory_space<vmem>>, vector<16xf32>,
            %get3A_150 = vector.shape_cast %get3A_149 : vector<16xf32> to vector<16xf32>
            %add3A_151 = arith.addf %mul3A_147, %get3A_150 : vector<16xf32>
            %swap3A_152 = arith.index_cast %scan3A_98 : i32 to index
            %swap3A_153 = arith.constant 32 : index
            %swap3A_154 = tpu.vector_load %arg11[%swap3A_152, %swap3A_153] {strides = array<i32>} : memref<80x128xf32, #tpu.memory_space<vmem>>, vector<1x16xf32>,
            %swap3A_155 = vector.shape_cast %swap3A_154 : vector<1x16xf32> to vector<16xf32>
            %swap3A_156 = vector.shape_cast %add3A_151 : vector<16xf32> to vector<1x16xf32>
            tpu.vector_store %arg11[%swap3A_152, %swap3A_153], %swap3A_156 {strides = array<i32>} : memref<80x128xf32, #tpu.memory_space<vmem>>, vector<1x16xf32>,
            %get3A_157 = arith.index_cast %scan3A_98 : i32 to index
            %get3A_158 = arith.constant 48 : index
            %get3A_159 = tpu.vector_load %arg11[%get3A_157, %get3A_158] {strides = array<i32>} : memref<80x128xf32, #tpu.memory_space<vmem>>, vector<1x16xf32>,
            %get3A_160 = vector.shape_cast %get3A_159 : vector<1x16xf32> to vector<16xf32>
            %get3A_161 = arith.index_cast %scan3A_98 : i32 to index
            %get3A_162 = arith.constant 48 : index
            %get3A_163 = tpu.vector_load %arg10[%get3A_161, %get3A_162] {strides = array<i32>} : memref<80x128xf32, #tpu.memory_space<vmem>>, vector<1x16xf32>,
            %get3A_164 = vector.shape_cast %get3A_163 : vector<1x16xf32> to vector<16xf32>
            %add3A_165 = arith.addf %get3A_160, %get3A_164 : vector<16xf32>
            %mul3A_166 = vector.broadcast %scan3A_22 : f32 to vector<16xf32>
            %mul3A_167 = arith.mulf %add3A_165, %mul3A_166 : vector<16xf32>
            %get3A_168 = arith.constant 48 : index
            %get3A_169 = tpu.vector_load %arg14[%get3A_168] {strides = array<i32>} : memref<128xf32, #tpu.memory_space<vmem>>, vector<16xf32>,
            %get3A_170 = vector.shape_cast %get3A_169 : vector<16xf32> to vector<16xf32>
            %add3A_171 = arith.addf %mul3A_167, %get3A_170 : vector<16xf32>
            %swap3A_172 = arith.index_cast %scan3A_98 : i32 to index
            %swap3A_173 = arith.constant 48 : index
            %swap3A_174 = tpu.vector_load %arg11[%swap3A_172, %swap3A_173] {strides = array<i32>} : memref<80x128xf32, #tpu.memory_space<vmem>>, vector<1x16xf32>,
            %swap3A_175 = vector.shape_cast %swap3A_174 : vector<1x16xf32> to vector<16xf32>
            %swap3A_176 = vector.shape_cast %add3A_171 : vector<16xf32> to vector<1x16xf32>
            tpu.vector_store %arg11[%swap3A_172, %swap3A_173], %swap3A_176 {strides = array<i32>} : memref<80x128xf32, #tpu.memory_space<vmem>>, vector<1x16xf32>,
            %get3A_177 = arith.index_cast %scan3A_98 : i32 to index
            %get3A_178 = arith.constant 64 : index
            %get3A_179 = tpu.vector_load %arg11[%get3A_177, %get3A_178] {strides = array<i32>} : memref<80x128xf32, #tpu.memory_space<vmem>>, vector<1x16xf32>,
            %get3A_180 = vector.shape_cast %get3A_179 : vector<1x16xf32> to vector<16xf32>
            %get3A_181 = arith.index_cast %scan3A_98 : i32 to index
            %get3A_182 = arith.constant 64 : index
            %get3A_183 = tpu.vector_load %arg10[%get3A_181, %get3A_182] {strides = array<i32>} : memref<80x128xf32, #tpu.memory_space<vmem>>, vector<1x16xf32>,
            %get3A_184 = vector.shape_cast %get3A_183 : vector<1x16xf32> to vector<16xf32>
            %add3A_185 = arith.addf %get3A_180, %get3A_184 : vector<16xf32>
            %mul3A_186 = vector.broadcast %scan3A_22 : f32 to vector<16xf32>
            %mul3A_187 = arith.mulf %add3A_185, %mul3A_186 : vector<16xf32>
            %get3A_188 = arith.constant 64 : index
            %get3A_189 = tpu.vector_load %arg14[%get3A_188] {strides = array<i32>} : memref<128xf32, #tpu.memory_space<vmem>>, vector<16xf32>,
            %get3A_190 = vector.shape_cast %get3A_189 : vector<16xf32> to vector<16xf32>
            %add3A_191 = arith.addf %mul3A_187, %get3A_190 : vector<16xf32>
            %swap3A_192 = arith.index_cast %scan3A_98 : i32 to index
            %swap3A_193 = arith.constant 64 : index
            %swap3A_194 = tpu.vector_load %arg11[%swap3A_192, %swap3A_193] {strides = array<i32>} : memref<80x128xf32, #tpu.memory_space<vmem>>, vector<1x16xf32>,
            %swap3A_195 = vector.shape_cast %swap3A_194 : vector<1x16xf32> to vector<16xf32>
            %swap3A_196 = vector.shape_cast %add3A_191 : vector<16xf32> to vector<1x16xf32>
            tpu.vector_store %arg11[%swap3A_192, %swap3A_193], %swap3A_196 {strides = array<i32>} : memref<80x128xf32, #tpu.memory_space<vmem>>, vector<1x16xf32>,
            %get3A_197 = arith.index_cast %scan3A_98 : i32 to index
            %get3A_198 = arith.constant 80 : index
            %get3A_199 = tpu.vector_load %arg11[%get3A_197, %get3A_198] {strides = array<i32>} : memref<80x128xf32, #tpu.memory_space<vmem>>, vector<1x16xf32>,
            %get3A_200 = vector.shape_cast %get3A_199 : vector<1x16xf32> to vector<16xf32>
            %get3A_201 = arith.index_cast %scan3A_98 : i32 to index
            %get3A_202 = arith.constant 80 : index
            %get3A_203 = tpu.vector_load %arg10[%get3A_201, %get3A_202] {strides = array<i32>} : memref<80x128xf32, #tpu.memory_space<vmem>>, vector<1x16xf32>,
            %get3A_204 = vector.shape_cast %get3A_203 : vector<1x16xf32> to vector<16xf32>
            %add3A_205 = arith.addf %get3A_200, %get3A_204 : vector<16xf32>
            %mul3A_206 = vector.broadcast %scan3A_22 : f32 to vector<16xf32>
            %mul3A_207 = arith.mulf %add3A_205, %mul3A_206 : vector<16xf32>
            %get3A_208 = arith.constant 80 : index
            %get3A_209 = tpu.vector_load %arg14[%get3A_208] {strides = array<i32>} : memref<128xf32, #tpu.memory_space<vmem>>, vector<16xf32>,
            %get3A_210 = vector.shape_cast %get3A_209 : vector<16xf32> to vector<16xf32>
            %add3A_211 = arith.addf %mul3A_207, %get3A_210 : vector<16xf32>
            %swap3A_212 = arith.index_cast %scan3A_98 : i32 to index
            %swap3A_213 = arith.constant 80 : index
            %swap3A_214 = tpu.vector_load %arg11[%swap3A_212, %swap3A_213] {strides = array<i32>} : memref<80x128xf32, #tpu.memory_space<vmem>>, vector<1x16xf32>,
            %swap3A_215 = vector.shape_cast %swap3A_214 : vector<1x16xf32> to vector<16xf32>
            %swap3A_216 = vector.shape_cast %add3A_211 : vector<16xf32> to vector<1x16xf32>
            tpu.vector_store %arg11[%swap3A_212, %swap3A_213], %swap3A_216 {strides = array<i32>} : memref<80x128xf32, #tpu.memory_space<vmem>>, vector<1x16xf32>,
            %get3A_217 = arith.index_cast %scan3A_98 : i32 to index
            %get3A_218 = arith.constant 96 : index
            %get3A_219 = tpu.vector_load %arg11[%get3A_217, %get3A_218] {strides = array<i32>} : memref<80x128xf32, #tpu.memory_space<vmem>>, vector<1x16xf32>,
            %get3A_220 = vector.shape_cast %get3A_219 : vector<1x16xf32> to vector<16xf32>
            %get3A_221 = arith.index_cast %scan3A_98 : i32 to index
            %get3A_222 = arith.constant 96 : index
            %get3A_223 = tpu.vector_load %arg10[%get3A_221, %get3A_222] {strides = array<i32>} : memref<80x128xf32, #tpu.memory_space<vmem>>, vector<1x16xf32>,
            %get3A_224 = vector.shape_cast %get3A_223 : vector<1x16xf32> to vector<16xf32>
            %add3A_225 = arith.addf %get3A_220, %get3A_224 : vector<16xf32>
            %mul3A_226 = vector.broadcast %scan3A_22 : f32 to vector<16xf32>
            %mul3A_227 = arith.mulf %add3A_225, %mul3A_226 : vector<16xf32>
            %get3A_228 = arith.constant 96 : index
            %get3A_229 = tpu.vector_load %arg14[%get3A_228] {strides = array<i32>} : memref<128xf32, #tpu.memory_space<vmem>>, vector<16xf32>,
            %get3A_230 = vector.shape_cast %get3A_229 : vector<16xf32> to vector<16xf32>
            %add3A_231 = arith.addf %mul3A_227, %get3A_230 : vector<16xf32>
            %swap3A_232 = arith.index_cast %scan3A_98 : i32 to index
            %swap3A_233 = arith.constant 96 : index
            %swap3A_234 = tpu.vector_load %arg11[%swap3A_232, %swap3A_233] {strides = array<i32>} : memref<80x128xf32, #tpu.memory_space<vmem>>, vector<1x16xf32>,
            %swap3A_235 = vector.shape_cast %swap3A_234 : vector<1x16xf32> to vector<16xf32>
            %swap3A_236 = vector.shape_cast %add3A_231 : vector<16xf32> to vector<1x16xf32>
            tpu.vector_store %arg11[%swap3A_232, %swap3A_233], %swap3A_236 {strides = array<i32>} : memref<80x128xf32, #tpu.memory_space<vmem>>, vector<1x16xf32>,
            %get3A_237 = arith.index_cast %scan3A_98 : i32 to index
            %get3A_238 = arith.constant 112 : index
            %get3A_239 = tpu.vector_load %arg11[%get3A_237, %get3A_238] {strides = array<i32>} : memref<80x128xf32, #tpu.memory_space<vmem>>, vector<1x16xf32>,
            %get3A_240 = vector.shape_cast %get3A_239 : vector<1x16xf32> to vector<16xf32>
            %get3A_241 = arith.index_cast %scan3A_98 : i32 to index
            %get3A_242 = arith.constant 112 : index
            %get3A_243 = tpu.vector_load %arg10[%get3A_241, %get3A_242] {strides = array<i32>} : memref<80x128xf32, #tpu.memory_space<vmem>>, vector<1x16xf32>,
            %get3A_244 = vector.shape_cast %get3A_243 : vector<1x16xf32> to vector<16xf32>
            %add3A_245 = arith.addf %get3A_240, %get3A_244 : vector<16xf32>
            %mul3A_246 = vector.broadcast %scan3A_22 : f32 to vector<16xf32>
            %mul3A_247 = arith.mulf %add3A_245, %mul3A_246 : vector<16xf32>
            %get3A_248 = arith.constant 112 : index
            %get3A_249 = tpu.vector_load %arg14[%get3A_248] {strides = array<i32>} : memref<128xf32, #tpu.memory_space<vmem>>, vector<16xf32>,
            %get3A_250 = vector.shape_cast %get3A_249 : vector<16xf32> to vector<16xf32>
            %add3A_251 = arith.addf %mul3A_247, %get3A_250 : vector<16xf32>
            %swap3A_252 = arith.index_cast %scan3A_98 : i32 to index
            %swap3A_253 = arith.constant 112 : index
            %swap3A_254 = tpu.vector_load %arg11[%swap3A_252, %swap3A_253] {strides = array<i32>} : memref<80x128xf32, #tpu.memory_space<vmem>>, vector<1x16xf32>,
            %swap3A_255 = vector.shape_cast %swap3A_254 : vector<1x16xf32> to vector<16xf32>
            %swap3A_256 = vector.shape_cast %add3A_251 : vector<16xf32> to vector<1x16xf32>
            tpu.vector_store %arg11[%swap3A_252, %swap3A_253], %swap3A_256 {strides = array<i32>} : memref<80x128xf32, #tpu.memory_space<vmem>>, vector<1x16xf32>,
          }
          %scan3A_93 = arith.constant 80 : i32
          %sub3A = arith.constant 10000 : i32
          %sub3A_94 = arith.subi %mul3A_55, %sub3A : i32
          %dma_start3A = arith.constant 0 : i32
          %dma_start3A_95 = tpu.memref_slice %arg7[%sub3A_94, %dma_start3A] : memref<320000x128xf32, #tpu.memory_space<hbm>> -> memref<80x128xf32, #tpu.memory_space<hbm>>
          %dma_start3A_96 = arith.constant 0 : i32
          %dma_start3A_97 = tpu.memref_slice %arg7[%sub3A_94, %dma_start3A_96] : memref<320000x128xf32, #tpu.memory_space<hbm>> -> memref<80x128xf32, #tpu.memory_space<hbm>>
          tpu.enqueue_dma source(%arg11 : memref<80x128xf32, #tpu.memory_space<vmem>>) target(%dma_start3A_97 : memref<80x128xf32, #tpu.memory_space<hbm>>) target_semaphore(%arg19 : memref<!tpu.dma_semaphore, #tpu.memory_space<semaphore_mem>>)
        } else {
        }
        %convert_element_type3A_85 = arith.extui %ge3A_58 : i1 to i32
        %cond3A_86 = arith.constant 0 : i32
        %cond3A_87 = arith.cmpi ne, %convert_element_type3A_85, %cond3A_86 : i32
        scf.if %cond3A_87 {
          %scan3A_88 = arith.constant 0 : i32
          %scan3A_89 = arith.constant 0 : i32
          %scan3A_90 = arith.constant 80 : i32
          %scan3A_91 = arith.addi %scan3A_89, %scan3A_90 : i32
          %scan3A_92 = arith.constant 1 : i32
          scf.for %scan3A_98 = %scan3A_89 to %scan3A_91 step %scan3A_92  : i32 {
            %get3A = arith.index_cast %scan3A_98 : i32 to index
            %get3A_99 = arith.constant 0 : index
            %get3A_100 = tpu.vector_load %arg10[%get3A, %get3A_99] {strides = array<i32>} : memref<80x128xf32, #tpu.memory_space<vmem>>, vector<1x16xf32>,
            %get3A_101 = vector.shape_cast %get3A_100 : vector<1x16xf32> to vector<16xf32>
            %get3A_102 = arith.constant 0 : index
            %get3A_103 = tpu.vector_load %arg14[%get3A_102] {strides = array<i32>} : memref<128xf32, #tpu.memory_space<vmem>>, vector<16xf32>,
            %get3A_104 = vector.shape_cast %get3A_103 : vector<16xf32> to vector<16xf32>
            %add3A_105 = arith.addf %get3A_101, %get3A_104 : vector<16xf32>
            %swap3A = arith.index_cast %scan3A_98 : i32 to index
            %swap3A_106 = arith.constant 0 : index
            %swap3A_107 = tpu.vector_load %arg11[%swap3A, %swap3A_106] {strides = array<i32>} : memref<80x128xf32, #tpu.memory_space<vmem>>, vector<1x16xf32>,
            %swap3A_108 = vector.shape_cast %swap3A_107 : vector<1x16xf32> to vector<16xf32>
            %swap3A_109 = vector.shape_cast %add3A_105 : vector<16xf32> to vector<1x16xf32>
            tpu.vector_store %arg11[%swap3A, %swap3A_106], %swap3A_109 {strides = array<i32>} : memref<80x128xf32, #tpu.memory_space<vmem>>, vector<1x16xf32>,
            %get3A_110 = arith.index_cast %scan3A_98 : i32 to index
            %get3A_111 = arith.constant 16 : index
            %get3A_112 = tpu.vector_load %arg10[%get3A_110, %get3A_111] {strides = array<i32>} : memref<80x128xf32, #tpu.memory_space<vmem>>, vector<1x16xf32>,
            %get3A_113 = vector.shape_cast %get3A_112 : vector<1x16xf32> to vector<16xf32>
            %get3A_114 = arith.constant 16 : index
            %get3A_115 = tpu.vector_load %arg14[%get3A_114] {strides = array<i32>} : memref<128xf32, #tpu.memory_space<vmem>>, vector<16xf32>,
            %get3A_116 = vector.shape_cast %get3A_115 : vector<16xf32> to vector<16xf32>
            %add3A_117 = arith.addf %get3A_113, %get3A_116 : vector<16xf32>
            %swap3A_118 = arith.index_cast %scan3A_98 : i32 to index
            %swap3A_119 = arith.constant 16 : index
            %swap3A_120 = tpu.vector_load %arg11[%swap3A_118, %swap3A_119] {strides = array<i32>} : memref<80x128xf32, #tpu.memory_space<vmem>>, vector<1x16xf32>,
            %swap3A_121 = vector.shape_cast %swap3A_120 : vector<1x16xf32> to vector<16xf32>
            %swap3A_122 = vector.shape_cast %add3A_117 : vector<16xf32> to vector<1x16xf32>
            tpu.vector_store %arg11[%swap3A_118, %swap3A_119], %swap3A_122 {strides = array<i32>} : memref<80x128xf32, #tpu.memory_space<vmem>>, vector<1x16xf32>,
            %get3A_123 = arith.index_cast %scan3A_98 : i32 to index
            %get3A_124 = arith.constant 32 : index
            %get3A_125 = tpu.vector_load %arg10[%get3A_123, %get3A_124] {strides = array<i32>} : memref<80x128xf32, #tpu.memory_space<vmem>>, vector<1x16xf32>,
            %get3A_126 = vector.shape_cast %get3A_125 : vector<1x16xf32> to vector<16xf32>
            %get3A_127 = arith.constant 32 : index
            %get3A_128 = tpu.vector_load %arg14[%get3A_127] {strides = array<i32>} : memref<128xf32, #tpu.memory_space<vmem>>, vector<16xf32>,
            %get3A_129 = vector.shape_cast %get3A_128 : vector<16xf32> to vector<16xf32>
            %add3A_130 = arith.addf %get3A_126, %get3A_129 : vector<16xf32>
            %swap3A_131 = arith.index_cast %scan3A_98 : i32 to index
            %swap3A_132 = arith.constant 32 : index
            %swap3A_133 = tpu.vector_load %arg11[%swap3A_131, %swap3A_132] {strides = array<i32>} : memref<80x128xf32, #tpu.memory_space<vmem>>, vector<1x16xf32>,
            %swap3A_134 = vector.shape_cast %swap3A_133 : vector<1x16xf32> to vector<16xf32>
            %swap3A_135 = vector.shape_cast %add3A_130 : vector<16xf32> to vector<1x16xf32>
            tpu.vector_store %arg11[%swap3A_131, %swap3A_132], %swap3A_135 {strides = array<i32>} : memref<80x128xf32, #tpu.memory_space<vmem>>, vector<1x16xf32>,
            %get3A_136 = arith.index_cast %scan3A_98 : i32 to index
            %get3A_137 = arith.constant 48 : index
            %get3A_138 = tpu.vector_load %arg10[%get3A_136, %get3A_137] {strides = array<i32>} : memref<80x128xf32, #tpu.memory_space<vmem>>, vector<1x16xf32>,
            %get3A_139 = vector.shape_cast %get3A_138 : vector<1x16xf32> to vector<16xf32>
            %get3A_140 = arith.constant 48 : index
            %get3A_141 = tpu.vector_load %arg14[%get3A_140] {strides = array<i32>} : memref<128xf32, #tpu.memory_space<vmem>>, vector<16xf32>,
            %get3A_142 = vector.shape_cast %get3A_141 : vector<16xf32> to vector<16xf32>
            %add3A_143 = arith.addf %get3A_139, %get3A_142 : vector<16xf32>
            %swap3A_144 = arith.index_cast %scan3A_98 : i32 to index
            %swap3A_145 = arith.constant 48 : index
            %swap3A_146 = tpu.vector_load %arg11[%swap3A_144, %swap3A_145] {strides = array<i32>} : memref<80x128xf32, #tpu.memory_space<vmem>>, vector<1x16xf32>,
            %swap3A_147 = vector.shape_cast %swap3A_146 : vector<1x16xf32> to vector<16xf32>
            %swap3A_148 = vector.shape_cast %add3A_143 : vector<16xf32> to vector<1x16xf32>
            tpu.vector_store %arg11[%swap3A_144, %swap3A_145], %swap3A_148 {strides = array<i32>} : memref<80x128xf32, #tpu.memory_space<vmem>>, vector<1x16xf32>,
            %get3A_149 = arith.index_cast %scan3A_98 : i32 to index
            %get3A_150 = arith.constant 64 : index
            %get3A_151 = tpu.vector_load %arg10[%get3A_149, %get3A_150] {strides = array<i32>} : memref<80x128xf32, #tpu.memory_space<vmem>>, vector<1x16xf32>,
            %get3A_152 = vector.shape_cast %get3A_151 : vector<1x16xf32> to vector<16xf32>
            %get3A_153 = arith.constant 64 : index
            %get3A_154 = tpu.vector_load %arg14[%get3A_153] {strides = array<i32>} : memref<128xf32, #tpu.memory_space<vmem>>, vector<16xf32>,
            %get3A_155 = vector.shape_cast %get3A_154 : vector<16xf32> to vector<16xf32>
            %add3A_156 = arith.addf %get3A_152, %get3A_155 : vector<16xf32>
            %swap3A_157 = arith.index_cast %scan3A_98 : i32 to index
            %swap3A_158 = arith.constant 64 : index
            %swap3A_159 = tpu.vector_load %arg11[%swap3A_157, %swap3A_158] {strides = array<i32>} : memref<80x128xf32, #tpu.memory_space<vmem>>, vector<1x16xf32>,
            %swap3A_160 = vector.shape_cast %swap3A_159 : vector<1x16xf32> to vector<16xf32>
            %swap3A_161 = vector.shape_cast %add3A_156 : vector<16xf32> to vector<1x16xf32>
            tpu.vector_store %arg11[%swap3A_157, %swap3A_158], %swap3A_161 {strides = array<i32>} : memref<80x128xf32, #tpu.memory_space<vmem>>, vector<1x16xf32>,
            %get3A_162 = arith.index_cast %scan3A_98 : i32 to index
            %get3A_163 = arith.constant 80 : index
            %get3A_164 = tpu.vector_load %arg10[%get3A_162, %get3A_163] {strides = array<i32>} : memref<80x128xf32, #tpu.memory_space<vmem>>, vector<1x16xf32>,
            %get3A_165 = vector.shape_cast %get3A_164 : vector<1x16xf32> to vector<16xf32>
            %get3A_166 = arith.constant 80 : index
            %get3A_167 = tpu.vector_load %arg14[%get3A_166] {strides = array<i32>} : memref<128xf32, #tpu.memory_space<vmem>>, vector<16xf32>,
            %get3A_168 = vector.shape_cast %get3A_167 : vector<16xf32> to vector<16xf32>
            %add3A_169 = arith.addf %get3A_165, %get3A_168 : vector<16xf32>
            %swap3A_170 = arith.index_cast %scan3A_98 : i32 to index
            %swap3A_171 = arith.constant 80 : index
            %swap3A_172 = tpu.vector_load %arg11[%swap3A_170, %swap3A_171] {strides = array<i32>} : memref<80x128xf32, #tpu.memory_space<vmem>>, vector<1x16xf32>,
            %swap3A_173 = vector.shape_cast %swap3A_172 : vector<1x16xf32> to vector<16xf32>
            %swap3A_174 = vector.shape_cast %add3A_169 : vector<16xf32> to vector<1x16xf32>
            tpu.vector_store %arg11[%swap3A_170, %swap3A_171], %swap3A_174 {strides = array<i32>} : memref<80x128xf32, #tpu.memory_space<vmem>>, vector<1x16xf32>,
            %get3A_175 = arith.index_cast %scan3A_98 : i32 to index
            %get3A_176 = arith.constant 96 : index
            %get3A_177 = tpu.vector_load %arg10[%get3A_175, %get3A_176] {strides = array<i32>} : memref<80x128xf32, #tpu.memory_space<vmem>>, vector<1x16xf32>,
            %get3A_178 = vector.shape_cast %get3A_177 : vector<1x16xf32> to vector<16xf32>
            %get3A_179 = arith.constant 96 : index
            %get3A_180 = tpu.vector_load %arg14[%get3A_179] {strides = array<i32>} : memref<128xf32, #tpu.memory_space<vmem>>, vector<16xf32>,
            %get3A_181 = vector.shape_cast %get3A_180 : vector<16xf32> to vector<16xf32>
            %add3A_182 = arith.addf %get3A_178, %get3A_181 : vector<16xf32>
            %swap3A_183 = arith.index_cast %scan3A_98 : i32 to index
            %swap3A_184 = arith.constant 96 : index
            %swap3A_185 = tpu.vector_load %arg11[%swap3A_183, %swap3A_184] {strides = array<i32>} : memref<80x128xf32, #tpu.memory_space<vmem>>, vector<1x16xf32>,
            %swap3A_186 = vector.shape_cast %swap3A_185 : vector<1x16xf32> to vector<16xf32>
            %swap3A_187 = vector.shape_cast %add3A_182 : vector<16xf32> to vector<1x16xf32>
            tpu.vector_store %arg11[%swap3A_183, %swap3A_184], %swap3A_187 {strides = array<i32>} : memref<80x128xf32, #tpu.memory_space<vmem>>, vector<1x16xf32>,
            %get3A_188 = arith.index_cast %scan3A_98 : i32 to index
            %get3A_189 = arith.constant 112 : index
            %get3A_190 = tpu.vector_load %arg10[%get3A_188, %get3A_189] {strides = array<i32>} : memref<80x128xf32, #tpu.memory_space<vmem>>, vector<1x16xf32>,
            %get3A_191 = vector.shape_cast %get3A_190 : vector<1x16xf32> to vector<16xf32>
            %get3A_192 = arith.constant 112 : index
            %get3A_193 = tpu.vector_load %arg14[%get3A_192] {strides = array<i32>} : memref<128xf32, #tpu.memory_space<vmem>>, vector<16xf32>,
            %get3A_194 = vector.shape_cast %get3A_193 : vector<16xf32> to vector<16xf32>
            %add3A_195 = arith.addf %get3A_191, %get3A_194 : vector<16xf32>
            %swap3A_196 = arith.index_cast %scan3A_98 : i32 to index
            %swap3A_197 = arith.constant 112 : index
            %swap3A_198 = tpu.vector_load %arg11[%swap3A_196, %swap3A_197] {strides = array<i32>} : memref<80x128xf32, #tpu.memory_space<vmem>>, vector<1x16xf32>,
            %swap3A_199 = vector.shape_cast %swap3A_198 : vector<1x16xf32> to vector<16xf32>
            %swap3A_200 = vector.shape_cast %add3A_195 : vector<16xf32> to vector<1x16xf32>
            tpu.vector_store %arg11[%swap3A_196, %swap3A_197], %swap3A_200 {strides = array<i32>} : memref<80x128xf32, #tpu.memory_space<vmem>>, vector<1x16xf32>,
          }
          %scan3A_93 = arith.constant 80 : i32
          %sub3A = arith.constant 10000 : i32
          %sub3A_94 = arith.subi %mul3A_55, %sub3A : i32
          %dma_start3A = arith.constant 0 : i32
          %dma_start3A_95 = tpu.memref_slice %arg7[%sub3A_94, %dma_start3A] : memref<320000x128xf32, #tpu.memory_space<hbm>> -> memref<80x128xf32, #tpu.memory_space<hbm>>
          %dma_start3A_96 = arith.constant 0 : i32
          %dma_start3A_97 = tpu.memref_slice %arg7[%sub3A_94, %dma_start3A_96] : memref<320000x128xf32, #tpu.memory_space<hbm>> -> memref<80x128xf32, #tpu.memory_space<hbm>>
          tpu.enqueue_dma source(%arg11 : memref<80x128xf32, #tpu.memory_space<vmem>>) target(%dma_start3A_97 : memref<80x128xf32, #tpu.memory_space<hbm>>) target_semaphore(%arg19 : memref<!tpu.dma_semaphore, #tpu.memory_space<semaphore_mem>>)
        } else {
        }
      } else {
      }
    }
    %scan3A_27 = arith.constant 129 : i32
    %barrier3A_28 = arith.constant 0 : index
    tpu.barrier barrier_id(%barrier3A_28)
    %mul3A_29 = arith.constant 624 : i32
    %mul3A_30 = arith.muli %arg1, %mul3A_29 : i32
    %add3A_31 = arith.constant 0 : i32
    %add3A_32 = arith.addi %mul3A_30, %add3A_31 : i32
    "tpu.region"() ({
      %run_scoped3A = tpu.sem_alloc : memref<!tpu.dma_semaphore, #tpu.memory_space<semaphore_mem>>
      %dma_start3A = arith.constant 0 : i32
      %dma_start3A_46 = tpu.memref_slice %arg9[%arg0, %add3A_32, %dma_start3A] : memref<2x10000x128xf32, #tpu.memory_space<hbm>> -> memref<1x208x128xf32, #tpu.memory_space<hbm>>
      %dma_start3A_47 = tpu.memref_squeeze %dma_start3A_46 : memref<1x208x128xf32, #tpu.memory_space<hbm>> -> memref<208x128xf32, #tpu.memory_space<hbm>>
      %dma_start3A_48 = arith.constant 0 : i32
      %dma_start3A_49 = tpu.memref_slice %arg16[%add3A_32, %dma_start3A_48] : memref<10000x128xf32, #tpu.memory_space<vmem_shared>> -> memref<208x128xf32, #tpu.memory_space<vmem_shared>>
      tpu.enqueue_dma source(%dma_start3A_49 : memref<208x128xf32, #tpu.memory_space<vmem_shared>>) target(%dma_start3A_47 : memref<208x128xf32, #tpu.memory_space<hbm>>) target_semaphore(%run_scoped3A : memref<!tpu.dma_semaphore, #tpu.memory_space<semaphore_mem>>)
      %dma_wait3A = arith.constant 0 : i32
      %dma_wait3A_50 = tpu.memref_slice %arg9[%arg0, %add3A_32, %dma_wait3A] : memref<2x10000x128xf32, #tpu.memory_space<hbm>> -> memref<1x208x128xf32, #tpu.memory_space<hbm>>
      %dma_wait3A_51 = tpu.memref_squeeze %dma_wait3A_50 : memref<1x208x128xf32, #tpu.memory_space<hbm>> -> memref<208x128xf32, #tpu.memory_space<hbm>>
      %dma_wait3A_52 = arith.constant 0 : i32
      %dma_wait3A_53 = tpu.memref_slice %arg16[%add3A_32, %dma_wait3A_52] : memref<10000x128xf32, #tpu.memory_space<vmem_shared>> -> memref<208x128xf32, #tpu.memory_space<vmem_shared>>
      tpu.wait_dma2 semaphore(%run_scoped3A : memref<!tpu.dma_semaphore, #tpu.memory_space<semaphore_mem>>) src(%dma_wait3A_53 : memref<208x128xf32, #tpu.memory_space<vmem_shared>>) dst(%dma_wait3A_51 : memref<208x128xf32, #tpu.memory_space<hbm>>)
      tpu.yield
    }) : () -> ()
    %mul3A_33 = arith.constant 624 : i32
    %mul3A_34 = arith.muli %arg1, %mul3A_33 : i32
    %add3A_35 = arith.constant 208 : i32
    %add3A_36 = arith.addi %mul3A_34, %add3A_35 : i32
    "tpu.region"() ({
      %run_scoped3A = tpu.sem_alloc : memref<!tpu.dma_semaphore, #tpu.memory_space<semaphore_mem>>
      %dma_start3A = arith.constant 0 : i32
      %dma_start3A_46 = tpu.memref_slice %arg9[%arg0, %add3A_36, %dma_start3A] : memref<2x10000x128xf32, #tpu.memory_space<hbm>> -> memref<1x208x128xf32, #tpu.memory_space<hbm>>
      %dma_start3A_47 = tpu.memref_squeeze %dma_start3A_46 : memref<1x208x128xf32, #tpu.memory_space<hbm>> -> memref<208x128xf32, #tpu.memory_space<hbm>>
      %dma_start3A_48 = arith.constant 0 : i32
      %dma_start3A_49 = tpu.memref_slice %arg16[%add3A_36, %dma_start3A_48] : memref<10000x128xf32, #tpu.memory_space<vmem_shared>> -> memref<208x128xf32, #tpu.memory_space<vmem_shared>>
      tpu.enqueue_dma source(%dma_start3A_49 : memref<208x128xf32, #tpu.memory_space<vmem_shared>>) target(%dma_start3A_47 : memref<208x128xf32, #tpu.memory_space<hbm>>) target_semaphore(%run_scoped3A : memref<!tpu.dma_semaphore, #tpu.memory_space<semaphore_mem>>)
      %dma_wait3A = arith.constant 0 : i32
      %dma_wait3A_50 = tpu.memref_slice %arg9[%arg0, %add3A_36, %dma_wait3A] : memref<2x10000x128xf32, #tpu.memory_space<hbm>> -> memref<1x208x128xf32, #tpu.memory_space<hbm>>
      %dma_wait3A_51 = tpu.memref_squeeze %dma_wait3A_50 : memref<1x208x128xf32, #tpu.memory_space<hbm>> -> memref<208x128xf32, #tpu.memory_space<hbm>>
      %dma_wait3A_52 = arith.constant 0 : i32
      %dma_wait3A_53 = tpu.memref_slice %arg16[%add3A_36, %dma_wait3A_52] : memref<10000x128xf32, #tpu.memory_space<vmem_shared>> -> memref<208x128xf32, #tpu.memory_space<vmem_shared>>
      tpu.wait_dma2 semaphore(%run_scoped3A : memref<!tpu.dma_semaphore, #tpu.memory_space<semaphore_mem>>) src(%dma_wait3A_53 : memref<208x128xf32, #tpu.memory_space<vmem_shared>>) dst(%dma_wait3A_51 : memref<208x128xf32, #tpu.memory_space<hbm>>)
      tpu.yield
    }) : () -> ()
    %mul3A_37 = arith.constant 624 : i32
    %mul3A_38 = arith.muli %arg1, %mul3A_37 : i32
    %add3A_39 = arith.constant 416 : i32
    %add3A_40 = arith.addi %mul3A_38, %add3A_39 : i32
    "tpu.region"() ({
      %run_scoped3A = tpu.sem_alloc : memref<!tpu.dma_semaphore, #tpu.memory_space<semaphore_mem>>
      %dma_start3A = arith.constant 0 : i32
      %dma_start3A_46 = tpu.memref_slice %arg9[%arg0, %add3A_40, %dma_start3A] : memref<2x10000x128xf32, #tpu.memory_space<hbm>> -> memref<1x208x128xf32, #tpu.memory_space<hbm>>
      %dma_start3A_47 = tpu.memref_squeeze %dma_start3A_46 : memref<1x208x128xf32, #tpu.memory_space<hbm>> -> memref<208x128xf32, #tpu.memory_space<hbm>>
      %dma_start3A_48 = arith.constant 0 : i32
      %dma_start3A_49 = tpu.memref_slice %arg16[%add3A_40, %dma_start3A_48] : memref<10000x128xf32, #tpu.memory_space<vmem_shared>> -> memref<208x128xf32, #tpu.memory_space<vmem_shared>>
      tpu.enqueue_dma source(%dma_start3A_49 : memref<208x128xf32, #tpu.memory_space<vmem_shared>>) target(%dma_start3A_47 : memref<208x128xf32, #tpu.memory_space<hbm>>) target_semaphore(%run_scoped3A : memref<!tpu.dma_semaphore, #tpu.memory_space<semaphore_mem>>)
      %dma_wait3A = arith.constant 0 : i32
      %dma_wait3A_50 = tpu.memref_slice %arg9[%arg0, %add3A_40, %dma_wait3A] : memref<2x10000x128xf32, #tpu.memory_space<hbm>> -> memref<1x208x128xf32, #tpu.memory_space<hbm>>
      %dma_wait3A_51 = tpu.memref_squeeze %dma_wait3A_50 : memref<1x208x128xf32, #tpu.memory_space<hbm>> -> memref<208x128xf32, #tpu.memory_space<hbm>>
      %dma_wait3A_52 = arith.constant 0 : i32
      %dma_wait3A_53 = tpu.memref_slice %arg16[%add3A_40, %dma_wait3A_52] : memref<10000x128xf32, #tpu.memory_space<vmem_shared>> -> memref<208x128xf32, #tpu.memory_space<vmem_shared>>
      tpu.wait_dma2 semaphore(%run_scoped3A : memref<!tpu.dma_semaphore, #tpu.memory_space<semaphore_mem>>) src(%dma_wait3A_53 : memref<208x128xf32, #tpu.memory_space<vmem_shared>>) dst(%dma_wait3A_51 : memref<208x128xf32, #tpu.memory_space<hbm>>)
      tpu.yield
    }) : () -> ()
    %eq3A_41 = arith.constant 0 : i32
    %eq3A_42 = arith.cmpi eq, %arg1, %eq3A_41 : i32
    %convert_element_type3A_43 = arith.extui %eq3A_42 : i1 to i32
    %cond3A_44 = arith.constant 0 : i32
    %cond3A_45 = arith.cmpi ne, %convert_element_type3A_43, %cond3A_44 : i32
    scf.if %cond3A_45 {
      "tpu.region"() ({
        %run_scoped3A = tpu.sem_alloc : memref<!tpu.dma_semaphore, #tpu.memory_space<semaphore_mem>>
        %dma_start3A = arith.constant 9984 : i32
        %dma_start3A_46 = arith.constant 0 : i32
        %dma_start3A_47 = tpu.memref_slice %arg9[%arg0, %dma_start3A, %dma_start3A_46] : memref<2x10000x128xf32, #tpu.memory_space<hbm>> -> memref<1x16x128xf32, #tpu.memory_space<hbm>>
        %dma_start3A_48 = tpu.memref_squeeze %dma_start3A_47 : memref<1x16x128xf32, #tpu.memory_space<hbm>> -> memref<16x128xf32, #tpu.memory_space<hbm>>
        %dma_start3A_49 = arith.constant 9984 : i32
        %dma_start3A_50 = arith.constant 0 : i32
        %dma_start3A_51 = tpu.memref_slice %arg16[%dma_start3A_49, %dma_start3A_50] : memref<10000x128xf32, #tpu.memory_space<vmem_shared>> -> memref<16x128xf32, #tpu.memory_space<vmem_shared>>
        tpu.enqueue_dma source(%dma_start3A_51 : memref<16x128xf32, #tpu.memory_space<vmem_shared>>) target(%dma_start3A_48 : memref<16x128xf32, #tpu.memory_space<hbm>>) target_semaphore(%run_scoped3A : memref<!tpu.dma_semaphore, #tpu.memory_space<semaphore_mem>>)
        %dma_wait3A = arith.constant 9984 : i32
        %dma_wait3A_52 = arith.constant 0 : i32
        %dma_wait3A_53 = tpu.memref_slice %arg9[%arg0, %dma_wait3A, %dma_wait3A_52] : memref<2x10000x128xf32, #tpu.memory_space<hbm>> -> memref<1x16x128xf32, #tpu.memory_space<hbm>>
        %dma_wait3A_54 = tpu.memref_squeeze %dma_wait3A_53 : memref<1x16x128xf32, #tpu.memory_space<hbm>> -> memref<16x128xf32, #tpu.memory_space<hbm>>
        %dma_wait3A_55 = arith.constant 9984 : i32
        %dma_wait3A_56 = arith.constant 0 : i32
        %dma_wait3A_57 = tpu.memref_slice %arg16[%dma_wait3A_55, %dma_wait3A_56] : memref<10000x128xf32, #tpu.memory_space<vmem_shared>> -> memref<16x128xf32, #tpu.memory_space<vmem_shared>>
        tpu.wait_dma2 semaphore(%run_scoped3A : memref<!tpu.dma_semaphore, #tpu.memory_space<semaphore_mem>>) src(%dma_wait3A_57 : memref<16x128xf32, #tpu.memory_space<vmem_shared>>) dst(%dma_wait3A_54 : memref<16x128xf32, #tpu.memory_space<hbm>>)
        tpu.yield
      }) : () -> ()
    } else {
    }
    return
  }
}

#map = affine_map<(d0, d1) -> (0)>
#map1 = affine_map<(d0, d1) -> (0, 0, 0)>
module attributes {stable_mosaic.version = 14 : i64} {
  func.func @_hist_body(%arg0: i32, %arg1: i32, %arg2: memref<320000xi32, #tpu.memory_space<hbm>>, %arg3: memref<2x10000x16xf32, #tpu.memory_space<hbm>>, %arg4: memref<80xi32, #tpu.memory_space<vmem>>, %arg5: memref<80x16xf32, #tpu.memory_space<vmem>>, %arg6: memref<208x16xf32, #tpu.memory_space<vmem>>, %arg7: memref<10000x16xf32, #tpu.memory_space<vmem_shared>>) attributes {dimension_semantics = [#tpu.dimension_semantics<core_parallel>, #tpu.dimension_semantics<subcore_parallel>], iteration_bounds = array<i64: 2, 16>, scalar_prefetch = 0 : i64, scratch_operands = 4 : i64, tpu.core_type = #tpu.core_type<sc_vector_subcore>, window_params = [{transform_indices = #map}, {transform_indices = #map1}]} {
    %mul3A = arith.constant 2 : i32
    %mul3A_0 = arith.muli %arg1, %mul3A : i32
    %add3A = arith.addi %mul3A_0, %arg0 : i32
    %broadcast_in_dim3A = arith.constant 0.000000e+00 : f32
    %broadcast_in_dim3A_1 = vector.broadcast %broadcast_in_dim3A : f32 to vector<16xf32>
    %broadcast_in_dim3A_2 = arith.constant 1.000000e+00 : f32
    %broadcast_in_dim3A_3 = vector.broadcast %broadcast_in_dim3A_2 : f32 to vector<16xf32>
    %scan3A = arith.constant 0 : i32
    %scan3A_4 = arith.constant 0 : i32
    %scan3A_5 = arith.constant 208 : i32
    %scan3A_6 = arith.addi %scan3A_4, %scan3A_5 : i32
    %scan3A_7 = arith.constant 1 : i32
    scf.for %scan3A_53 = %scan3A_4 to %scan3A_6 step %scan3A_7  : i32 {
      %swap3A = arith.index_cast %scan3A_53 : i32 to index
      %swap3A_54 = arith.constant 0 : index
      %swap3A_55 = tpu.vector_load %arg6[%swap3A, %swap3A_54] {strides = array<i32>} : memref<208x16xf32, #tpu.memory_space<vmem>>, vector<1x16xf32>,
      %swap3A_56 = vector.shape_cast %swap3A_55 : vector<1x16xf32> to vector<16xf32>
      %swap3A_57 = vector.shape_cast %broadcast_in_dim3A_1 : vector<16xf32> to vector<1x16xf32>
      tpu.vector_store %arg6[%swap3A, %swap3A_54], %swap3A_57 {strides = array<i32>} : memref<208x16xf32, #tpu.memory_space<vmem>>, vector<1x16xf32>,
    }
    %scan3A_8 = arith.constant 208 : i32
    %scan3A_9 = arith.constant 0 : i32
    %scan3A_10 = arith.constant 0 : i32
    %scan3A_11 = arith.constant 80 : i32
    %scan3A_12 = arith.addi %scan3A_10, %scan3A_11 : i32
    %scan3A_13 = arith.constant 1 : i32
    scf.for %scan3A_53 = %scan3A_10 to %scan3A_12 step %scan3A_13  : i32 {
      %swap3A = arith.index_cast %scan3A_53 : i32 to index
      %swap3A_54 = arith.constant 0 : index
      %swap3A_55 = tpu.vector_load %arg5[%swap3A, %swap3A_54] {strides = array<i32>} : memref<80x16xf32, #tpu.memory_space<vmem>>, vector<1x16xf32>,
      %swap3A_56 = vector.shape_cast %swap3A_55 : vector<1x16xf32> to vector<16xf32>
      %swap3A_57 = vector.shape_cast %broadcast_in_dim3A_3 : vector<16xf32> to vector<1x16xf32>
      tpu.vector_store %arg5[%swap3A, %swap3A_54], %swap3A_57 {strides = array<i32>} : memref<80x16xf32, #tpu.memory_space<vmem>>, vector<1x16xf32>,
    }
    %scan3A_14 = arith.constant 80 : i32
    %mul3A_15 = arith.constant 624 : i32
    %mul3A_16 = arith.muli %arg1, %mul3A_15 : i32
    %add3A_17 = arith.constant 0 : i32
    %add3A_18 = arith.addi %mul3A_16, %add3A_17 : i32
    "tpu.region"() ({
      %run_scoped3A = tpu.sem_alloc : memref<!tpu.dma_semaphore, #tpu.memory_space<semaphore_mem>>
      %dma_start3A = arith.constant 0 : i32
      %dma_start3A_53 = tpu.memref_slice %arg7[%add3A_18, %dma_start3A] : memref<10000x16xf32, #tpu.memory_space<vmem_shared>> -> memref<208x16xf32, #tpu.memory_space<vmem_shared>>
      %dma_start3A_54 = arith.constant 0 : i32
      %dma_start3A_55 = tpu.memref_slice %arg7[%add3A_18, %dma_start3A_54] : memref<10000x16xf32, #tpu.memory_space<vmem_shared>> -> memref<208x16xf32, #tpu.memory_space<vmem_shared>>
      tpu.enqueue_dma source(%arg6 : memref<208x16xf32, #tpu.memory_space<vmem>>) target(%dma_start3A_55 : memref<208x16xf32, #tpu.memory_space<vmem_shared>>) target_semaphore(%run_scoped3A : memref<!tpu.dma_semaphore, #tpu.memory_space<semaphore_mem>>)
      %dma_wait3A = arith.constant 0 : i32
      %dma_wait3A_56 = tpu.memref_slice %arg7[%add3A_18, %dma_wait3A] : memref<10000x16xf32, #tpu.memory_space<vmem_shared>> -> memref<208x16xf32, #tpu.memory_space<vmem_shared>>
      %dma_wait3A_57 = arith.constant 0 : i32
      %dma_wait3A_58 = tpu.memref_slice %arg7[%add3A_18, %dma_wait3A_57] : memref<10000x16xf32, #tpu.memory_space<vmem_shared>> -> memref<208x16xf32, #tpu.memory_space<vmem_shared>>
      tpu.wait_dma2 semaphore(%run_scoped3A : memref<!tpu.dma_semaphore, #tpu.memory_space<semaphore_mem>>) src(%arg6 : memref<208x16xf32, #tpu.memory_space<vmem>>) dst(%dma_wait3A_58 : memref<208x16xf32, #tpu.memory_space<vmem_shared>>)
      tpu.yield
    }) : () -> ()
    %mul3A_19 = arith.constant 624 : i32
    %mul3A_20 = arith.muli %arg1, %mul3A_19 : i32
    %add3A_21 = arith.constant 208 : i32
    %add3A_22 = arith.addi %mul3A_20, %add3A_21 : i32
    "tpu.region"() ({
      %run_scoped3A = tpu.sem_alloc : memref<!tpu.dma_semaphore, #tpu.memory_space<semaphore_mem>>
      %dma_start3A = arith.constant 0 : i32
      %dma_start3A_53 = tpu.memref_slice %arg7[%add3A_22, %dma_start3A] : memref<10000x16xf32, #tpu.memory_space<vmem_shared>> -> memref<208x16xf32, #tpu.memory_space<vmem_shared>>
      %dma_start3A_54 = arith.constant 0 : i32
      %dma_start3A_55 = tpu.memref_slice %arg7[%add3A_22, %dma_start3A_54] : memref<10000x16xf32, #tpu.memory_space<vmem_shared>> -> memref<208x16xf32, #tpu.memory_space<vmem_shared>>
      tpu.enqueue_dma source(%arg6 : memref<208x16xf32, #tpu.memory_space<vmem>>) target(%dma_start3A_55 : memref<208x16xf32, #tpu.memory_space<vmem_shared>>) target_semaphore(%run_scoped3A : memref<!tpu.dma_semaphore, #tpu.memory_space<semaphore_mem>>)
      %dma_wait3A = arith.constant 0 : i32
      %dma_wait3A_56 = tpu.memref_slice %arg7[%add3A_22, %dma_wait3A] : memref<10000x16xf32, #tpu.memory_space<vmem_shared>> -> memref<208x16xf32, #tpu.memory_space<vmem_shared>>
      %dma_wait3A_57 = arith.constant 0 : i32
      %dma_wait3A_58 = tpu.memref_slice %arg7[%add3A_22, %dma_wait3A_57] : memref<10000x16xf32, #tpu.memory_space<vmem_shared>> -> memref<208x16xf32, #tpu.memory_space<vmem_shared>>
      tpu.wait_dma2 semaphore(%run_scoped3A : memref<!tpu.dma_semaphore, #tpu.memory_space<semaphore_mem>>) src(%arg6 : memref<208x16xf32, #tpu.memory_space<vmem>>) dst(%dma_wait3A_58 : memref<208x16xf32, #tpu.memory_space<vmem_shared>>)
      tpu.yield
    }) : () -> ()
    %mul3A_23 = arith.constant 624 : i32
    %mul3A_24 = arith.muli %arg1, %mul3A_23 : i32
    %add3A_25 = arith.constant 416 : i32
    %add3A_26 = arith.addi %mul3A_24, %add3A_25 : i32
    "tpu.region"() ({
      %run_scoped3A = tpu.sem_alloc : memref<!tpu.dma_semaphore, #tpu.memory_space<semaphore_mem>>
      %dma_start3A = arith.constant 0 : i32
      %dma_start3A_53 = tpu.memref_slice %arg7[%add3A_26, %dma_start3A] : memref<10000x16xf32, #tpu.memory_space<vmem_shared>> -> memref<208x16xf32, #tpu.memory_space<vmem_shared>>
      %dma_start3A_54 = arith.constant 0 : i32
      %dma_start3A_55 = tpu.memref_slice %arg7[%add3A_26, %dma_start3A_54] : memref<10000x16xf32, #tpu.memory_space<vmem_shared>> -> memref<208x16xf32, #tpu.memory_space<vmem_shared>>
      tpu.enqueue_dma source(%arg6 : memref<208x16xf32, #tpu.memory_space<vmem>>) target(%dma_start3A_55 : memref<208x16xf32, #tpu.memory_space<vmem_shared>>) target_semaphore(%run_scoped3A : memref<!tpu.dma_semaphore, #tpu.memory_space<semaphore_mem>>)
      %dma_wait3A = arith.constant 0 : i32
      %dma_wait3A_56 = tpu.memref_slice %arg7[%add3A_26, %dma_wait3A] : memref<10000x16xf32, #tpu.memory_space<vmem_shared>> -> memref<208x16xf32, #tpu.memory_space<vmem_shared>>
      %dma_wait3A_57 = arith.constant 0 : i32
      %dma_wait3A_58 = tpu.memref_slice %arg7[%add3A_26, %dma_wait3A_57] : memref<10000x16xf32, #tpu.memory_space<vmem_shared>> -> memref<208x16xf32, #tpu.memory_space<vmem_shared>>
      tpu.wait_dma2 semaphore(%run_scoped3A : memref<!tpu.dma_semaphore, #tpu.memory_space<semaphore_mem>>) src(%arg6 : memref<208x16xf32, #tpu.memory_space<vmem>>) dst(%dma_wait3A_58 : memref<208x16xf32, #tpu.memory_space<vmem_shared>>)
      tpu.yield
    }) : () -> ()
    %eq3A = arith.constant 0 : i32
    %eq3A_27 = arith.cmpi eq, %arg1, %eq3A : i32
    %convert_element_type3A = arith.extui %eq3A_27 : i1 to i32
    %cond3A = arith.constant 0 : i32
    %cond3A_28 = arith.cmpi ne, %convert_element_type3A, %cond3A : i32
    scf.if %cond3A_28 {
      "tpu.region"() ({
        %run_scoped3A = tpu.sem_alloc : memref<!tpu.dma_semaphore, #tpu.memory_space<semaphore_mem>>
        %dma_start3A = arith.constant 0 : i32
        %dma_start3A_53 = arith.constant 0 : i32
        %dma_start3A_54 = tpu.memref_slice %arg6[%dma_start3A, %dma_start3A_53] : memref<208x16xf32, #tpu.memory_space<vmem>> -> memref<16x16xf32, #tpu.memory_space<vmem>>
        %dma_start3A_55 = arith.constant 9984 : i32
        %dma_start3A_56 = arith.constant 0 : i32
        %dma_start3A_57 = tpu.memref_slice %arg7[%dma_start3A_55, %dma_start3A_56] : memref<10000x16xf32, #tpu.memory_space<vmem_shared>> -> memref<16x16xf32, #tpu.memory_space<vmem_shared>>
        %dma_start3A_58 = arith.constant 9984 : i32
        %dma_start3A_59 = arith.constant 0 : i32
        %dma_start3A_60 = tpu.memref_slice %arg7[%dma_start3A_58, %dma_start3A_59] : memref<10000x16xf32, #tpu.memory_space<vmem_shared>> -> memref<16x16xf32, #tpu.memory_space<vmem_shared>>
        %dma_start3A_61 = arith.constant 0 : i32
        %dma_start3A_62 = arith.constant 0 : i32
        %dma_start3A_63 = tpu.memref_slice %arg6[%dma_start3A_61, %dma_start3A_62] : memref<208x16xf32, #tpu.memory_space<vmem>> -> memref<16x16xf32, #tpu.memory_space<vmem>>
        tpu.enqueue_dma source(%dma_start3A_63 : memref<16x16xf32, #tpu.memory_space<vmem>>) target(%dma_start3A_60 : memref<16x16xf32, #tpu.memory_space<vmem_shared>>) target_semaphore(%run_scoped3A : memref<!tpu.dma_semaphore, #tpu.memory_space<semaphore_mem>>)
        %dma_wait3A = arith.constant 0 : i32
        %dma_wait3A_64 = arith.constant 0 : i32
        %dma_wait3A_65 = tpu.memref_slice %arg6[%dma_wait3A, %dma_wait3A_64] : memref<208x16xf32, #tpu.memory_space<vmem>> -> memref<16x16xf32, #tpu.memory_space<vmem>>
        %dma_wait3A_66 = arith.constant 9984 : i32
        %dma_wait3A_67 = arith.constant 0 : i32
        %dma_wait3A_68 = tpu.memref_slice %arg7[%dma_wait3A_66, %dma_wait3A_67] : memref<10000x16xf32, #tpu.memory_space<vmem_shared>> -> memref<16x16xf32, #tpu.memory_space<vmem_shared>>
        %dma_wait3A_69 = arith.constant 9984 : i32
        %dma_wait3A_70 = arith.constant 0 : i32
        %dma_wait3A_71 = tpu.memref_slice %arg7[%dma_wait3A_69, %dma_wait3A_70] : memref<10000x16xf32, #tpu.memory_space<vmem_shared>> -> memref<16x16xf32, #tpu.memory_space<vmem_shared>>
        %dma_wait3A_72 = arith.constant 0 : i32
        %dma_wait3A_73 = arith.constant 0 : i32
        %dma_wait3A_74 = tpu.memref_slice %arg6[%dma_wait3A_72, %dma_wait3A_73] : memref<208x16xf32, #tpu.memory_space<vmem>> -> memref<16x16xf32, #tpu.memory_space<vmem>>
        tpu.wait_dma2 semaphore(%run_scoped3A : memref<!tpu.dma_semaphore, #tpu.memory_space<semaphore_mem>>) src(%dma_wait3A_74 : memref<16x16xf32, #tpu.memory_space<vmem>>) dst(%dma_wait3A_71 : memref<16x16xf32, #tpu.memory_space<vmem_shared>>)
        tpu.yield
      }) : () -> ()
    } else {
    }
    %barrier3A = arith.constant 0 : index
    tpu.barrier barrier_id(%barrier3A)
    %scan3A_29 = arith.constant 0 : i32
    %scan3A_30 = arith.constant 0 : i32
    %scan3A_31 = arith.constant 125 : i32
    %scan3A_32 = arith.addi %scan3A_30, %scan3A_31 : i32
    %scan3A_33 = arith.constant 1 : i32
    scf.for %scan3A_53 = %scan3A_30 to %scan3A_32 step %scan3A_33  : i32 {
      %mul3A_54 = arith.constant 10000 : i32
      %mul3A_55 = arith.muli %add3A, %mul3A_54 : i32
      %mul3A_56 = arith.constant 80 : i32
      %mul3A_57 = arith.muli %scan3A_53, %mul3A_56 : i32
      %add3A_58 = arith.addi %mul3A_55, %mul3A_57 : i32
      "tpu.region"() ({
        %run_scoped3A = tpu.sem_alloc : memref<!tpu.dma_semaphore, #tpu.memory_space<semaphore_mem>>
        %dma_start3A = tpu.memref_slice %arg2[%add3A_58] : memref<320000xi32, #tpu.memory_space<hbm>> -> memref<80xi32, #tpu.memory_space<hbm>>
        %dma_start3A_59 = tpu.memref_slice %arg2[%add3A_58] : memref<320000xi32, #tpu.memory_space<hbm>> -> memref<80xi32, #tpu.memory_space<hbm>>
        tpu.enqueue_dma source(%dma_start3A_59 : memref<80xi32, #tpu.memory_space<hbm>>) target(%arg4 : memref<80xi32, #tpu.memory_space<vmem>>) target_semaphore(%run_scoped3A : memref<!tpu.dma_semaphore, #tpu.memory_space<semaphore_mem>>)
        %dma_wait3A = tpu.memref_slice %arg2[%add3A_58] : memref<320000xi32, #tpu.memory_space<hbm>> -> memref<80xi32, #tpu.memory_space<hbm>>
        %dma_wait3A_60 = tpu.memref_slice %arg2[%add3A_58] : memref<320000xi32, #tpu.memory_space<hbm>> -> memref<80xi32, #tpu.memory_space<hbm>>
        tpu.wait_dma2 semaphore(%run_scoped3A : memref<!tpu.dma_semaphore, #tpu.memory_space<semaphore_mem>>) src(%dma_wait3A_60 : memref<80xi32, #tpu.memory_space<hbm>>) dst(%arg4 : memref<80xi32, #tpu.memory_space<vmem>>)
        tpu.yield
      }) : () -> ()
      "tpu.region"() ({
        %run_scoped3A = tpu.sem_alloc : memref<!tpu.dma_semaphore, #tpu.memory_space<semaphore_mem>>
        %dma_start3A = arith.constant 0 : i32
        %dma_start3A_59 = arith.constant 0 : i32
        %dma_start3A_60 = tpu.memref_slice %arg7[%dma_start3A, %dma_start3A_59] : memref<10000x16xf32, #tpu.memory_space<vmem_shared>> -> memref<10000x16xf32, #tpu.memory_space<vmem_shared>>
        tpu.enqueue_indirect_dma source(%arg5 : memref<80x16xf32, #tpu.memory_space<vmem>>) target(%dma_start3A_60 : memref<10000x16xf32, #tpu.memory_space<vmem_shared>>) offsets(%arg4 : memref<80xi32, #tpu.memory_space<vmem>>) semaphore(%run_scoped3A : memref<!tpu.dma_semaphore, #tpu.memory_space<semaphore_mem>>) {add = true}
        %dma_wait3A = arith.constant 0 : i32
        %dma_wait3A_61 = arith.constant 0 : i32
        %dma_wait3A_62 = tpu.memref_slice %arg7[%dma_wait3A, %dma_wait3A_61] : memref<10000x16xf32, #tpu.memory_space<vmem_shared>> -> memref<10000x16xf32, #tpu.memory_space<vmem_shared>>
        tpu.wait_indirect_dma semaphore(%run_scoped3A : memref<!tpu.dma_semaphore, #tpu.memory_space<semaphore_mem>>) src(%arg5 : memref<80x16xf32, #tpu.memory_space<vmem>>) dst(%dma_wait3A_62 : memref<10000x16xf32, #tpu.memory_space<vmem_shared>>)
        tpu.yield
      }) : () -> ()
    }
    %scan3A_34 = arith.constant 125 : i32
    %barrier3A_35 = arith.constant 0 : index
    tpu.barrier barrier_id(%barrier3A_35)
    %mul3A_36 = arith.constant 624 : i32
    %mul3A_37 = arith.muli %arg1, %mul3A_36 : i32
    %add3A_38 = arith.constant 0 : i32
    %add3A_39 = arith.addi %mul3A_37, %add3A_38 : i32
    "tpu.region"() ({
      %run_scoped3A = tpu.sem_alloc : memref<!tpu.dma_semaphore, #tpu.memory_space<semaphore_mem>>
      %dma_start3A = arith.constant 0 : i32
      %dma_start3A_53 = tpu.memref_slice %arg3[%arg0, %add3A_39, %dma_start3A] : memref<2x10000x16xf32, #tpu.memory_space<hbm>> -> memref<1x208x16xf32, #tpu.memory_space<hbm>>
      %dma_start3A_54 = tpu.memref_squeeze %dma_start3A_53 : memref<1x208x16xf32, #tpu.memory_space<hbm>> -> memref<208x16xf32, #tpu.memory_space<hbm>>
      %dma_start3A_55 = arith.constant 0 : i32
      %dma_start3A_56 = tpu.memref_slice %arg7[%add3A_39, %dma_start3A_55] : memref<10000x16xf32, #tpu.memory_space<vmem_shared>> -> memref<208x16xf32, #tpu.memory_space<vmem_shared>>
      tpu.enqueue_dma source(%dma_start3A_56 : memref<208x16xf32, #tpu.memory_space<vmem_shared>>) target(%dma_start3A_54 : memref<208x16xf32, #tpu.memory_space<hbm>>) target_semaphore(%run_scoped3A : memref<!tpu.dma_semaphore, #tpu.memory_space<semaphore_mem>>)
      %dma_wait3A = arith.constant 0 : i32
      %dma_wait3A_57 = tpu.memref_slice %arg3[%arg0, %add3A_39, %dma_wait3A] : memref<2x10000x16xf32, #tpu.memory_space<hbm>> -> memref<1x208x16xf32, #tpu.memory_space<hbm>>
      %dma_wait3A_58 = tpu.memref_squeeze %dma_wait3A_57 : memref<1x208x16xf32, #tpu.memory_space<hbm>> -> memref<208x16xf32, #tpu.memory_space<hbm>>
      %dma_wait3A_59 = arith.constant 0 : i32
      %dma_wait3A_60 = tpu.memref_slice %arg7[%add3A_39, %dma_wait3A_59] : memref<10000x16xf32, #tpu.memory_space<vmem_shared>> -> memref<208x16xf32, #tpu.memory_space<vmem_shared>>
      tpu.wait_dma2 semaphore(%run_scoped3A : memref<!tpu.dma_semaphore, #tpu.memory_space<semaphore_mem>>) src(%dma_wait3A_60 : memref<208x16xf32, #tpu.memory_space<vmem_shared>>) dst(%dma_wait3A_58 : memref<208x16xf32, #tpu.memory_space<hbm>>)
      tpu.yield
    }) : () -> ()
    %mul3A_40 = arith.constant 624 : i32
    %mul3A_41 = arith.muli %arg1, %mul3A_40 : i32
    %add3A_42 = arith.constant 208 : i32
    %add3A_43 = arith.addi %mul3A_41, %add3A_42 : i32
    "tpu.region"() ({
      %run_scoped3A = tpu.sem_alloc : memref<!tpu.dma_semaphore, #tpu.memory_space<semaphore_mem>>
      %dma_start3A = arith.constant 0 : i32
      %dma_start3A_53 = tpu.memref_slice %arg3[%arg0, %add3A_43, %dma_start3A] : memref<2x10000x16xf32, #tpu.memory_space<hbm>> -> memref<1x208x16xf32, #tpu.memory_space<hbm>>
      %dma_start3A_54 = tpu.memref_squeeze %dma_start3A_53 : memref<1x208x16xf32, #tpu.memory_space<hbm>> -> memref<208x16xf32, #tpu.memory_space<hbm>>
      %dma_start3A_55 = arith.constant 0 : i32
      %dma_start3A_56 = tpu.memref_slice %arg7[%add3A_43, %dma_start3A_55] : memref<10000x16xf32, #tpu.memory_space<vmem_shared>> -> memref<208x16xf32, #tpu.memory_space<vmem_shared>>
      tpu.enqueue_dma source(%dma_start3A_56 : memref<208x16xf32, #tpu.memory_space<vmem_shared>>) target(%dma_start3A_54 : memref<208x16xf32, #tpu.memory_space<hbm>>) target_semaphore(%run_scoped3A : memref<!tpu.dma_semaphore, #tpu.memory_space<semaphore_mem>>)
      %dma_wait3A = arith.constant 0 : i32
      %dma_wait3A_57 = tpu.memref_slice %arg3[%arg0, %add3A_43, %dma_wait3A] : memref<2x10000x16xf32, #tpu.memory_space<hbm>> -> memref<1x208x16xf32, #tpu.memory_space<hbm>>
      %dma_wait3A_58 = tpu.memref_squeeze %dma_wait3A_57 : memref<1x208x16xf32, #tpu.memory_space<hbm>> -> memref<208x16xf32, #tpu.memory_space<hbm>>
      %dma_wait3A_59 = arith.constant 0 : i32
      %dma_wait3A_60 = tpu.memref_slice %arg7[%add3A_43, %dma_wait3A_59] : memref<10000x16xf32, #tpu.memory_space<vmem_shared>> -> memref<208x16xf32, #tpu.memory_space<vmem_shared>>
      tpu.wait_dma2 semaphore(%run_scoped3A : memref<!tpu.dma_semaphore, #tpu.memory_space<semaphore_mem>>) src(%dma_wait3A_60 : memref<208x16xf32, #tpu.memory_space<vmem_shared>>) dst(%dma_wait3A_58 : memref<208x16xf32, #tpu.memory_space<hbm>>)
      tpu.yield
    }) : () -> ()
    %mul3A_44 = arith.constant 624 : i32
    %mul3A_45 = arith.muli %arg1, %mul3A_44 : i32
    %add3A_46 = arith.constant 416 : i32
    %add3A_47 = arith.addi %mul3A_45, %add3A_46 : i32
    "tpu.region"() ({
      %run_scoped3A = tpu.sem_alloc : memref<!tpu.dma_semaphore, #tpu.memory_space<semaphore_mem>>
      %dma_start3A = arith.constant 0 : i32
      %dma_start3A_53 = tpu.memref_slice %arg3[%arg0, %add3A_47, %dma_start3A] : memref<2x10000x16xf32, #tpu.memory_space<hbm>> -> memref<1x208x16xf32, #tpu.memory_space<hbm>>
      %dma_start3A_54 = tpu.memref_squeeze %dma_start3A_53 : memref<1x208x16xf32, #tpu.memory_space<hbm>> -> memref<208x16xf32, #tpu.memory_space<hbm>>
      %dma_start3A_55 = arith.constant 0 : i32
      %dma_start3A_56 = tpu.memref_slice %arg7[%add3A_47, %dma_start3A_55] : memref<10000x16xf32, #tpu.memory_space<vmem_shared>> -> memref<208x16xf32, #tpu.memory_space<vmem_shared>>
      tpu.enqueue_dma source(%dma_start3A_56 : memref<208x16xf32, #tpu.memory_space<vmem_shared>>) target(%dma_start3A_54 : memref<208x16xf32, #tpu.memory_space<hbm>>) target_semaphore(%run_scoped3A : memref<!tpu.dma_semaphore, #tpu.memory_space<semaphore_mem>>)
      %dma_wait3A = arith.constant 0 : i32
      %dma_wait3A_57 = tpu.memref_slice %arg3[%arg0, %add3A_47, %dma_wait3A] : memref<2x10000x16xf32, #tpu.memory_space<hbm>> -> memref<1x208x16xf32, #tpu.memory_space<hbm>>
      %dma_wait3A_58 = tpu.memref_squeeze %dma_wait3A_57 : memref<1x208x16xf32, #tpu.memory_space<hbm>> -> memref<208x16xf32, #tpu.memory_space<hbm>>
      %dma_wait3A_59 = arith.constant 0 : i32
      %dma_wait3A_60 = tpu.memref_slice %arg7[%add3A_47, %dma_wait3A_59] : memref<10000x16xf32, #tpu.memory_space<vmem_shared>> -> memref<208x16xf32, #tpu.memory_space<vmem_shared>>
      tpu.wait_dma2 semaphore(%run_scoped3A : memref<!tpu.dma_semaphore, #tpu.memory_space<semaphore_mem>>) src(%dma_wait3A_60 : memref<208x16xf32, #tpu.memory_space<vmem_shared>>) dst(%dma_wait3A_58 : memref<208x16xf32, #tpu.memory_space<hbm>>)
      tpu.yield
    }) : () -> ()
    %eq3A_48 = arith.constant 0 : i32
    %eq3A_49 = arith.cmpi eq, %arg1, %eq3A_48 : i32
    %convert_element_type3A_50 = arith.extui %eq3A_49 : i1 to i32
    %cond3A_51 = arith.constant 0 : i32
    %cond3A_52 = arith.cmpi ne, %convert_element_type3A_50, %cond3A_51 : i32
    scf.if %cond3A_52 {
      "tpu.region"() ({
        %run_scoped3A = tpu.sem_alloc : memref<!tpu.dma_semaphore, #tpu.memory_space<semaphore_mem>>
        %dma_start3A = arith.constant 9984 : i32
        %dma_start3A_53 = arith.constant 0 : i32
        %dma_start3A_54 = tpu.memref_slice %arg3[%arg0, %dma_start3A, %dma_start3A_53] : memref<2x10000x16xf32, #tpu.memory_space<hbm>> -> memref<1x16x16xf32, #tpu.memory_space<hbm>>
        %dma_start3A_55 = tpu.memref_squeeze %dma_start3A_54 : memref<1x16x16xf32, #tpu.memory_space<hbm>> -> memref<16x16xf32, #tpu.memory_space<hbm>>
        %dma_start3A_56 = arith.constant 9984 : i32
        %dma_start3A_57 = arith.constant 0 : i32
        %dma_start3A_58 = tpu.memref_slice %arg7[%dma_start3A_56, %dma_start3A_57] : memref<10000x16xf32, #tpu.memory_space<vmem_shared>> -> memref<16x16xf32, #tpu.memory_space<vmem_shared>>
        tpu.enqueue_dma source(%dma_start3A_58 : memref<16x16xf32, #tpu.memory_space<vmem_shared>>) target(%dma_start3A_55 : memref<16x16xf32, #tpu.memory_space<hbm>>) target_semaphore(%run_scoped3A : memref<!tpu.dma_semaphore, #tpu.memory_space<semaphore_mem>>)
        %dma_wait3A = arith.constant 9984 : i32
        %dma_wait3A_59 = arith.constant 0 : i32
        %dma_wait3A_60 = tpu.memref_slice %arg3[%arg0, %dma_wait3A, %dma_wait3A_59] : memref<2x10000x16xf32, #tpu.memory_space<hbm>> -> memref<1x16x16xf32, #tpu.memory_space<hbm>>
        %dma_wait3A_61 = tpu.memref_squeeze %dma_wait3A_60 : memref<1x16x16xf32, #tpu.memory_space<hbm>> -> memref<16x16xf32, #tpu.memory_space<hbm>>
        %dma_wait3A_62 = arith.constant 9984 : i32
        %dma_wait3A_63 = arith.constant 0 : i32
        %dma_wait3A_64 = tpu.memref_slice %arg7[%dma_wait3A_62, %dma_wait3A_63] : memref<10000x16xf32, #tpu.memory_space<vmem_shared>> -> memref<16x16xf32, #tpu.memory_space<vmem_shared>>
        tpu.wait_dma2 semaphore(%run_scoped3A : memref<!tpu.dma_semaphore, #tpu.memory_space<semaphore_mem>>) src(%dma_wait3A_64 : memref<16x16xf32, #tpu.memory_space<vmem_shared>>) dst(%dma_wait3A_61 : memref<16x16xf32, #tpu.memory_space<hbm>>)
        tpu.yield
      }) : () -> ()
    } else {
    }
    return
  }
}

module attributes {stable_mosaic.version = 14 : i64} {
  func.func @_mm_pred_body(%arg0: i32, %arg1: memref<2000x128xf32, #tpu.memory_space<vmem>>, %arg2: memref<128x128xf32, #tpu.memory_space<vmem>>, %arg3: memref<2000x128xf32, #tpu.memory_space<vmem>>) attributes {dimension_semantics = [#tpu.dimension_semantics<arbitrary>], iteration_bounds = array<i64: 160>, scalar_prefetch = 0 : i64, scratch_operands = 0 : i64, tpu.core_type = #tpu.core_type<tc>, window_params = [{transform_indices = @transform_0, window_bounds = array<i64: 2000, 128>}, {pipeline_mode = #tpu.pipeline_mode<synchronous>, transform_indices = @transform_1, window_bounds = array<i64: 128, 128>}, {transform_indices = @transform_2, window_bounds = array<i64: 2000, 128>}]} {
    %get3A = arith.constant 0 : index
    %get3A_0 = arith.constant 0 : index
    %get3A_1 = vector.load %arg1[%get3A, %get3A_0] : memref<2000x128xf32, #tpu.memory_space<vmem>>, vector<2000x128xf32>
    %get3A_2 = arith.constant 0 : index
    %get3A_3 = arith.constant 0 : index
    %get3A_4 = vector.load %arg2[%get3A_2, %get3A_3] : memref<128x128xf32, #tpu.memory_space<vmem>>, vector<128x128xf32>
    %dot_general3A = arith.constant dense<0.000000e+00> : vector<2000x128xf32>
    %dot_general3A_5 = tpu.matmul %get3A_1, %get3A_4, %dot_general3A {dimension_numbers = #tpu.dot_dimension_numbers<[1], [0], [0], [1], [0, 0, 1, 1], [], []>, transpose_lhs_hint = false} : vector<2000x128xf32>, vector<128x128xf32>, vector<2000x128xf32> -> vector<2000x128xf32>
    %lt3A = arith.constant 155 : i32
    %lt3A_6 = arith.cmpi slt, %arg0, %lt3A : i32
    %jit3A = arith.constant 0.707106769 : f32
    %jit3A_7 = arith.constant 1.000000e+00 : f32
    %select_n3A = arith.select %lt3A_6, %jit3A, %jit3A_7 : f32
    %mul3A = vector.broadcast %select_n3A : f32 to vector<2000x128xf32>
    %mul3A_8 = arith.mulf %dot_general3A_5, %mul3A : vector<2000x128xf32>
    %swap3A = arith.constant 0 : index
    %swap3A_9 = arith.constant 0 : index
    %swap3A_10 = vector.load %arg3[%swap3A, %swap3A_9] : memref<2000x128xf32, #tpu.memory_space<vmem>>, vector<2000x128xf32>
    tpu.vector_store %arg3[%swap3A, %swap3A_9], %mul3A_8 {strides = array<i32>} : memref<2000x128xf32, #tpu.memory_space<vmem>>, vector<2000x128xf32>,
    return
  }
  func.func @transform_0(%arg0: i32) -> (i32, i32) {
    %c0_i32 = arith.constant 0 : i32
    %c0_i32_0 = arith.constant 0 : i32
    return %arg0, %c0_i32 : i32, i32
  }
  func.func @transform_1(%arg0: i32) -> (i32, i32) {
    %c0_i32 = arith.constant 0 : i32
    %c0_i32_0 = arith.constant 0 : i32
    %c0_i32_1 = arith.constant 0 : i32
    return %c0_i32, %c0_i32_0 : i32, i32
  }
  func.func @transform_2(%arg0: i32) -> (i32, i32) {
    %c0_i32 = arith.constant 0 : i32
    %c0_i32_0 = arith.constant 0 : i32
    return %arg0, %c0_i32 : i32, i32
  }
}

module attributes {stable_mosaic.version = 14 : i64} {
  func.func @_mm_obj_body(%arg0: i32, %arg1: memref<2000x128xf32, #tpu.memory_space<vmem>>, %arg2: memref<128x128xf32, #tpu.memory_space<vmem>>, %arg3: memref<2x1x2000x16xf32, #tpu.memory_space<vmem>>, %arg4: memref<2000x128xf32, #tpu.memory_space<vmem>>) attributes {dimension_semantics = [#tpu.dimension_semantics<arbitrary>], iteration_bounds = array<i64: 5>, scalar_prefetch = 0 : i64, scratch_operands = 0 : i64, tpu.core_type = #tpu.core_type<tc>, window_params = [{transform_indices = @transform_0, window_bounds = array<i64: 2000, 128>}, {pipeline_mode = #tpu.pipeline_mode<synchronous>, transform_indices = @transform_1, window_bounds = array<i64: 128, 128>}, {transform_indices = @transform_2, window_bounds = array<i64: 2, 1, 2000, 16>}, {transform_indices = @transform_3, window_bounds = array<i64: 2000, 128>}]} {
    %get3A = arith.constant 0 : index
    %get3A_0 = arith.constant 0 : index
    %get3A_1 = vector.load %arg1[%get3A, %get3A_0] : memref<2000x128xf32, #tpu.memory_space<vmem>>, vector<2000x128xf32>
    %get3A_2 = arith.constant 0 : index
    %get3A_3 = arith.constant 0 : index
    %get3A_4 = vector.load %arg2[%get3A_2, %get3A_3] : memref<128x128xf32, #tpu.memory_space<vmem>>, vector<128x128xf32>
    %dot_general3A = arith.constant dense<0.000000e+00> : vector<2000x128xf32>
    %dot_general3A_5 = tpu.matmul %get3A_1, %get3A_4, %dot_general3A {dimension_numbers = #tpu.dot_dimension_numbers<[1], [0], [0], [1], [0, 0, 1, 1], [], []>, transpose_lhs_hint = false} : vector<2000x128xf32>, vector<128x128xf32>, vector<2000x128xf32> -> vector<2000x128xf32>
    %get3A_6 = arith.constant 0 : index
    %get3A_7 = arith.constant 0 : index
    %get3A_8 = arith.constant 0 : index
    %get3A_9 = arith.constant 0 : index
    %get3A_10 = vector.load %arg3[%get3A_6, %get3A_7, %get3A_8, %get3A_9] : memref<2x1x2000x16xf32, #tpu.memory_space<vmem>>, vector<2x1x2000x16xf32>
    %reduce_sum3A = arith.constant dense<0.000000e+00> : vector<2000xf32>
    %reduce_sum3A_11 = vector.multi_reduction <add>, %get3A_10, %reduce_sum3A [0, 1, 3] : vector<2x1x2000x16xf32> to vector<2000xf32>
    %mul3A = arith.constant 6.250000e-02 : f32
    %mul3A_12 = vector.broadcast %mul3A : f32 to vector<2000xf32>
    %mul3A_13 = arith.mulf %reduce_sum3A_11, %mul3A_12 : vector<2000xf32>
    %add3A = arith.constant 2.000000e+00 : f32
    %add3A_14 = vector.broadcast %add3A : f32 to vector<2000xf32>
    %add3A_15 = arith.addf %mul3A_13, %add3A_14 : vector<2000xf32>
    %rsqrt3A = math.rsqrt %add3A_15 : vector<2000xf32>
    %broadcast_in_dim3A = vector.shape_cast %rsqrt3A : vector<2000xf32> to vector<2000x1xf32>
    %mul3A_16 = vector.broadcast %broadcast_in_dim3A : vector<2000x1xf32> to vector<2000x128xf32>
    %mul3A_17 = arith.mulf %dot_general3A_5, %mul3A_16 : vector<2000x128xf32>
    %swap3A = arith.constant 0 : index
    %swap3A_18 = arith.constant 0 : index
    %swap3A_19 = vector.load %arg4[%swap3A, %swap3A_18] : memref<2000x128xf32, #tpu.memory_space<vmem>>, vector<2000x128xf32>
    tpu.vector_store %arg4[%swap3A, %swap3A_18], %mul3A_17 {strides = array<i32>} : memref<2000x128xf32, #tpu.memory_space<vmem>>, vector<2000x128xf32>,
    return
  }
  func.func @transform_0(%arg0: i32) -> (i32, i32) {
    %c0_i32 = arith.constant 0 : i32
    %c0_i32_0 = arith.constant 0 : i32
    return %arg0, %c0_i32 : i32, i32
  }
  func.func @transform_1(%arg0: i32) -> (i32, i32) {
    %c0_i32 = arith.constant 0 : i32
    %c0_i32_0 = arith.constant 0 : i32
    %c0_i32_1 = arith.constant 0 : i32
    return %c0_i32, %c0_i32_0 : i32, i32
  }
  func.func @transform_2(%arg0: i32) -> (i32, i32, i32, i32) {
    %c0_i32 = arith.constant 0 : i32
    %c0_i32_0 = arith.constant 0 : i32
    %c0_i32_1 = arith.constant 0 : i32
    %c0_i32_2 = arith.constant 0 : i32
    return %c0_i32, %arg0, %c0_i32_0, %c0_i32_1 : i32, i32, i32, i32
  }
  func.func @transform_3(%arg0: i32) -> (i32, i32) {
    %c0_i32 = arith.constant 0 : i32
    %c0_i32_0 = arith.constant 0 : i32
    return %arg0, %c0_i32 : i32, i32
  }
}

module attributes {stable_mosaic.version = 14 : i64} {
  func.func @_final_obj_body(%arg0: i32, %arg1: memref<2000x128xf32, #tpu.memory_space<vmem>>, %arg2: memref<2x2000x128xf32, #tpu.memory_space<vmem>>, %arg3: memref<2x1x2000x16xf32, #tpu.memory_space<vmem>>, %arg4: memref<1x128xf32, #tpu.memory_space<vmem>>, %arg5: memref<2000x128xf32, #tpu.memory_space<vmem>>) attributes {dimension_semantics = [#tpu.dimension_semantics<arbitrary>], iteration_bounds = array<i64: 5>, scalar_prefetch = 0 : i64, scratch_operands = 0 : i64, tpu.core_type = #tpu.core_type<tc>, window_params = [{transform_indices = @transform_0, window_bounds = array<i64: 2000, 128>}, {transform_indices = @transform_1, window_bounds = array<i64: 2, 2000, 128>}, {transform_indices = @transform_2, window_bounds = array<i64: 2, 1, 2000, 16>}, {pipeline_mode = #tpu.pipeline_mode<synchronous>, transform_indices = @transform_3, window_bounds = array<i64: 1, 128>}, {transform_indices = @transform_4, window_bounds = array<i64: 2000, 128>}]} {
    %get3A = arith.constant 0 : index
    %get3A_0 = arith.constant 0 : index
    %get3A_1 = arith.constant 0 : index
    %get3A_2 = vector.load %arg2[%get3A, %get3A_0, %get3A_1] : memref<2x2000x128xf32, #tpu.memory_space<vmem>>, vector<2x2000x128xf32>
    %slice3A = vector.extract_strided_slice %get3A_2 {offsets = [0, 0, 0], sizes = [1, 2000, 128], strides = [1, 1, 1]} : vector<2x2000x128xf32> to vector<1x2000x128xf32>
    %squeeze3A = vector.shape_cast %slice3A : vector<1x2000x128xf32> to vector<2000x128xf32>
    %slice3A_3 = vector.extract_strided_slice %get3A_2 {offsets = [1, 0, 0], sizes = [1, 2000, 128], strides = [1, 1, 1]} : vector<2x2000x128xf32> to vector<1x2000x128xf32>
    %squeeze3A_4 = vector.shape_cast %slice3A_3 : vector<1x2000x128xf32> to vector<2000x128xf32>
    %add3A = arith.addf %squeeze3A, %squeeze3A_4 : vector<2000x128xf32>
    %get3A_5 = arith.constant 0 : index
    %get3A_6 = arith.constant 0 : index
    %get3A_7 = arith.constant 0 : index
    %get3A_8 = arith.constant 0 : index
    %get3A_9 = vector.load %arg3[%get3A_5, %get3A_6, %get3A_7, %get3A_8] : memref<2x1x2000x16xf32, #tpu.memory_space<vmem>>, vector<2x1x2000x16xf32>
    %reduce_sum3A = arith.constant dense<0.000000e+00> : vector<2000xf32>
    %reduce_sum3A_10 = vector.multi_reduction <add>, %get3A_9, %reduce_sum3A [0, 1, 3] : vector<2x1x2000x16xf32> to vector<2000xf32>
    %mul3A = arith.constant 6.250000e-02 : f32
    %mul3A_11 = vector.broadcast %mul3A : f32 to vector<2000xf32>
    %mul3A_12 = arith.mulf %reduce_sum3A_10, %mul3A_11 : vector<2000xf32>
    %add3A_13 = arith.constant 2.000000e+00 : f32
    %add3A_14 = vector.broadcast %add3A_13 : f32 to vector<2000xf32>
    %add3A_15 = arith.addf %mul3A_12, %add3A_14 : vector<2000xf32>
    %rsqrt3A = math.rsqrt %add3A_15 : vector<2000xf32>
    %broadcast_in_dim3A = vector.shape_cast %rsqrt3A : vector<2000xf32> to vector<2000x1xf32>
    %get3A_16 = arith.constant 0 : index
    %get3A_17 = arith.constant 0 : index
    %get3A_18 = vector.load %arg1[%get3A_16, %get3A_17] : memref<2000x128xf32, #tpu.memory_space<vmem>>, vector<2000x128xf32>
    %add3A_19 = arith.addf %get3A_18, %add3A : vector<2000x128xf32>
    %mul3A_20 = vector.broadcast %broadcast_in_dim3A : vector<2000x1xf32> to vector<2000x128xf32>
    %mul3A_21 = arith.mulf %mul3A_20, %add3A_19 : vector<2000x128xf32>
    %get3A_22 = arith.constant 0 : index
    %get3A_23 = arith.constant 0 : index
    %get3A_24 = vector.load %arg4[%get3A_22, %get3A_23] : memref<1x128xf32, #tpu.memory_space<vmem>>, vector<1x128xf32>
    %add3A_25 = vector.broadcast %get3A_24 : vector<1x128xf32> to vector<2000x128xf32>
    %add3A_26 = arith.addf %mul3A_21, %add3A_25 : vector<2000x128xf32>
    %swap3A = arith.constant 0 : index
    %swap3A_27 = arith.constant 0 : index
    %swap3A_28 = vector.load %arg5[%swap3A, %swap3A_27] : memref<2000x128xf32, #tpu.memory_space<vmem>>, vector<2000x128xf32>
    tpu.vector_store %arg5[%swap3A, %swap3A_27], %add3A_26 {strides = array<i32>} : memref<2000x128xf32, #tpu.memory_space<vmem>>, vector<2000x128xf32>,
    return
  }
  func.func @transform_0(%arg0: i32) -> (i32, i32) {
    %c0_i32 = arith.constant 0 : i32
    %c0_i32_0 = arith.constant 0 : i32
    return %arg0, %c0_i32 : i32, i32
  }
  func.func @transform_1(%arg0: i32) -> (i32, i32, i32) {
    %c0_i32 = arith.constant 0 : i32
    %c0_i32_0 = arith.constant 0 : i32
    %c0_i32_1 = arith.constant 0 : i32
    return %c0_i32, %arg0, %c0_i32_0 : i32, i32, i32
  }
  func.func @transform_2(%arg0: i32) -> (i32, i32, i32, i32) {
    %c0_i32 = arith.constant 0 : i32
    %c0_i32_0 = arith.constant 0 : i32
    %c0_i32_1 = arith.constant 0 : i32
    %c0_i32_2 = arith.constant 0 : i32
    return %c0_i32, %arg0, %c0_i32_0, %c0_i32_1 : i32, i32, i32, i32
  }
  func.func @transform_3(%arg0: i32) -> (i32, i32) {
    %c0_i32 = arith.constant 0 : i32
    %c0_i32_0 = arith.constant 0 : i32
    %c0_i32_1 = arith.constant 0 : i32
    return %c0_i32, %c0_i32_0 : i32, i32
  }
  func.func @transform_4(%arg0: i32) -> (i32, i32) {
    %c0_i32 = arith.constant 0 : i32
    %c0_i32_0 = arith.constant 0 : i32
    return %arg0, %c0_i32 : i32, i32
  }
}

</mosaic_0001>

<sc_bundles>
// kernel: kernel.10.cloned.1.call-start
scs
__scs_entry_jumppad:
0x0: {  	(pc) =	sbr.rel $0x88, $3  }
0x1: {  	(tag) =	ssettag $0x0;
	lr =	simm.s32 $0x1  }
0x2: {  	[smem:$0x3F9C] =	sst lr;
	_ =	strace $0xD0000000  }
0x3: {  	_ = 	snop  }
0x4: {  	_ = 	snop  }
0x5: {  	_ = 	snop  }
0x6: {  	_ = 	snop  }
0x7: {  	_ = 	snop  }
__scs_overlays_trampoline_lowered:
0x8: {  	[smem:$0x3FAB] =	sst s0  }
0x9: {  	[smem:$0x3FAC] =	sst s1  }
0xa: {  	[smem:$0x3FAD] =	sst s2  }
0xb: {  	[smem:$0x3FAE] =	sst s3  }
0xc: {  	[smem:$0x3FAF] =	sst s4  }
0xd: {  	[smem:$0x3FB0] =	sst s5  }
0xe: {  	[smem:$0x3FB1] =	sst s6  }
0xf: {  	[smem:$0x3FB2] =	sst s7  }
0x10: {  	[smem:$0x3FB3] =	sst s8  }
0x11: {  	[smem:$0x3FB4] =	sst s9;
	s0 =	simm.s32 @!p0 $0x0  }
0x12: {  	s1 =	sld [smem:$0x3F9A];
	s0 =	simm.s32 @p0 $0x1  }
0x13: {  	[smem:$0x3FB5] =	sst s0;
	s0 =	simm.s32 @!p1 $0x0  }
0x14: {  	s2 =	sld [smem:$0x3F99];
	s0 =	simm.s32 @p1 $0x1  }
0x15: {  	[smem:$0x3FB6] =	sst s0;
	s0 =	simm.s32 @!p2 $0x0  }
0x16: {  	s3 =	sld [smem:$0x3FDB];
	s0 =	simm.s32 @p2 $0x1  }
0x17: {  	s4 =	simm.s32 $0x1BF5;
	[smem:$0x3FB8] =	sst s0  }
0x18: {  	s0 =	sld [smem:$0x3F9B];
	_ =	swait.ge [sflag:s4], $0x0  }
0x19: {  	s7 =	sld [smem:$0x3F9C]  }
0x1a: {  	s8 =	sadd.s32 $0xFFFFE003, lr  }
0x1b: {  	s9 =	sadd.s32 $0xFFFFFEF7, lr;
	s5 =	simm.s32 $0xFFFFFFFF;
	p2 =	slt.u32 s8, $0xFFFFF086  }
0x1c: {  	p1 =	slt.u32 s9, $0xF7A;
	s5 =	simm.s32 @!p2 $0x0  }
0x1d: {  	s5 =	simm.s32 @p1 $0x1;
	p0 =	seq.s32 s7, s2  }
0x1e: {  	s7 =	smul.u32 @!p0 $0xF7A, s2;
	p2 =	seq.s32 @!p0 s5, $0x0  }
0x1f: {  	s9 =	smul.u32 $0xF7A, s1;
	s8 =	simm.s32 @!p0 $0x1BF5;
	p2 =	por !p2, p0  }
0x20: {  	[sflag:s8] =	ssyncset.s32 @!p0 $0xFFFFF086;
	s6 =	sadd.s32 @!p0 s3, s7;
	s7 =	simm.s32 @!p0 $0x108  }
0x21: {  	s3 =	sadd.s32 s3, s9;
	s6 =	sadd.s32 @!p0 $0x88, s6;
	s7 =	simm.s32 @p2 $0x1082  }
0x22: {  	[simem:s7], [sflag:s8] =	dma.local @!p0 [hbm:s6], $0xF7A  }
0x23: {  	s9 =	sor.u32 $0xD0000000, s2;
	s6 =	simm.s32 $0x108;
	_ =	swait.ge @!p0 [sflag:s8], $0x0  }
0x24: {  	s3 =	sadd.s32 $0x88, s3;
	s6 =	simm.s32 @!p1 $0x1082;
	[sflag:s4] =	ssyncset.s32 $0xFFFFF086  }
0x25: {  	[simem:s6], [sflag:s4] =	dma.local [hbm:s3], $0xF7A  }
0x26: {  	[smem:$0x3F9C] =	sst s1;
	(tag) =	ssettag s2;
	_ =	strace s9  }
0x27: {  	s1 =	sld [smem:$0x3FAC]  }
0x28: {  	s2 =	sld [smem:$0x3FAD]  }
0x29: {  	s4 =	sld [smem:$0x3FAF]  }
0x2a: {  	p0 =	seq.s32 s5, $0x0;
	s5 =	sld [smem:$0x3FB0]  }
0x2b: {  	s6 =	sld [smem:$0x3FB1]  }
0x2c: {  	s7 =	sld [smem:$0x3FB2]  }
0x2d: {  	s3 =	simm.s32 $0x108;
	s8 =	sld [smem:$0x3FB3]  }
0x2e: {  	s3 =	simm.s32 @!p0 $0x1082;
	s9 =	sld [smem:$0x3FB4]  }
0x2f: {  	lr =	sadd.s32 s0, s3;
	s0 =	sld [smem:$0x3FAB]  }
0x30: {  	s3 =	sld [smem:$0x3FAE]  }
0x31: {  	[smem:$0x3FB7] =	sst s10  }
0x32: {  	s10 =	sld [smem:$0x3FB5];
	_ =	sdelay $0x3  }
0x33: {  	p0 =	seq.s32 s10, $0x1;
	s10 =	sld [smem:$0x3FB7];
	_ =	sdelay $0x3  }
0x34: {  	[smem:$0x3FB7] =	sst s10  }
0x35: {  	s10 =	sld [smem:$0x3FB6];
	_ =	sdelay $0x3  }
0x36: {  	p1 =	seq.s32 s10, $0x1;
	s10 =	sld [smem:$0x3FB7];
	_ =	sdelay $0x3  }
0x37: {  	[smem:$0x3FB7] =	sst s10  }
0x38: {  	s10 =	sld [smem:$0x3FB8]  }
0x39: {  	_ = 	snop;
	(pc) =	sbr.ind lr, $3  }
0x3a: {  	_ = 	snop  }
0x3b: {  	_ = 	snop  }
0x3c: {  	p2 =	seq.s32 s10, $0x1;
	s10 =	sld [smem:$0x3FB7]  }
0x3d: {  	_ =	shalt  }
0x3e: {  	_ =	shalt  }
0x3f: {  	_ =	shalt  }
0x40: {  	_ =	shalt  }
0x41: {  	_ =	shalt  }
0x42: {  	_ =	shalt  }
0x43: {  	_ =	shalt  }
0x44: {  	_ =	shalt  }
0x45: {  	_ =	shalt  }
0x46: {  	_ =	shalt  }
0x47: {  	_ =	shalt  }
0x48: {  	_ =	shalt  }
0x49: {  	_ =	shalt  }
0x4a: {  	_ =	shalt  }
0x4b: {  	_ =	shalt  }
0x4c: {  	_ =	shalt  }
0x4d: {  	_ =	shalt  }
0x4e: {  	_ =	shalt  }
0x4f: {  	_ =	shalt  }
0x50: {  	_ =	shalt  }
0x51: {  	_ =	shalt  }
0x52: {  	_ =	shalt  }
0x53: {  	_ =	shalt  }
0x54: {  	_ =	shalt  }
0x55: {  	_ =	shalt  }
0x56: {  	_ =	shalt  }
0x57: {  	_ =	shalt  }
0x58: {  	_ =	shalt  }
0x59: {  	_ =	shalt  }
0x5a: {  	_ =	shalt  }
0x5b: {  	_ =	shalt  }
0x5c: {  	_ =	shalt  }
0x5d: {  	_ =	shalt  }
0x5e: {  	_ =	shalt  }
0x5f: {  	_ =	shalt  }
0x60: {  	_ =	shalt  }
0x61: {  	_ =	shalt  }
0x62: {  	_ =	shalt  }
0x63: {  	_ =	shalt  }
0x64: {  	_ =	shalt  }
0x65: {  	_ =	shalt  }
0x66: {  	_ =	shalt  }
0x67: {  	_ =	shalt  }
0x68: {  	_ =	shalt  }
0x69: {  	_ =	shalt  }
0x6a: {  	_ =	shalt  }
0x6b: {  	_ =	shalt  }
0x6c: {  	_ =	shalt  }
0x6d: {  	_ =	shalt  }
0x6e: {  	_ =	shalt  }
0x6f: {  	_ =	shalt  }
0x70: {  	_ =	shalt  }
0x71: {  	_ =	shalt  }
0x72: {  	_ =	shalt  }
0x73: {  	_ =	shalt  }
0x74: {  	_ =	shalt  }
0x75: {  	_ =	shalt  }
0x76: {  	_ =	shalt  }
0x77: {  	_ =	shalt  }
0x78: {  	_ =	shalt  }
0x79: {  	_ =	shalt  }
0x7a: {  	_ =	shalt  }
0x7b: {  	_ =	shalt  }
0x7c: {  	_ =	shalt  }
0x7d: {  	_ =	shalt  }
0x7e: {  	_ =	shalt  }
0x7f: {  	_ =	shalt  }
0x80: {  	_ =	shalt  }
0x81: {  	_ =	shalt  }
0x82: {  	_ =	shalt  }
0x83: {  	_ =	shalt  }
0x84: {  	_ =	shalt  }
0x85: {  	_ =	shalt  }
0x86: {  	_ =	shalt  }
0x87: {  	_ =	shalt  }
.Lfunc_end0:
.L_simem_size_0:
called_computation.1_lowered:
.L_overlay_start_0:
0x88: {  	s2 =	sld [smem:$0x3FD9]  }
0x89: {  	s3 =	sld [smem:$0x3FFE];
	_ =	sdelay $0x1  }
0x8a: {  	s1 =	srdreg.scid  }
0x8b: {  	s0 =	sand.u32 $0x1, s1  }
0x8c: {  	s14 =	sshll.u32 s0, $0xA;
	s2 =	sadd.s32 s3, s2  }
0x8d: {  	s2 =	sadd.s32 s2, s14  }
0x8e: {  	[smem:$0x3FC3] =	sst s2  }
0x8f: {  	_ = 	snop  }
0x90: {  	s2 =	sld [smem:$0x3FD0];
	_ =	sdelay $0x2  }
0x91: {  	s4 =	simm.s32 $0xA;
	s5 =	simm.s32 $0x10;
	s15 =	sld [smem:$0x3FC5]  }
0x92: {  	[smem:s5], [sflag:s4] =	dma.local [hbm:s2], $0x1  }
0x93: {  	_ =	swait.eq [sflag:s4], $0x1  }
0x94: {  	[sflag:s4] =	ssyncset.done $0x0  }
0x95: {  	s16 =	sld [smem:$0x10];
	[sflag:s4] =	ssyncadd.s32 $0xFFFFFFFF  }
0x96: {  	s17 =	sld [smem:$0x11];
	(tm) =	ssettm $0x1  }
0x97: {  	s18 =	sld [smem:$0x3FFB];
	_ =	sdelay $0x3  }
0x98: {  	_ =	strace s18  }
0x99: {  	s5 =	sld [smem:$0x3FFC];
	_ =	sdelay $0x3  }
0x9a: {  	_ =	strace s5  }
0x9b: {  	s5 =	sld [smem:$0x3FFD];
	_ =	sdelay $0x3  }
0x9c: {  	_ =	strace s5  }
0x9d: {  	_ =	strace $0x8FFFFFFF  }
0x9e: {  	s19 =	sld [smem:$0x3FDB];
	_ =	sdelay $0x1  }
0x9f: {  	s6 =	simm.s32 $_scs_section_size  }
0xa0: {  	s7 =	simm.s32 $_size__tile_overlayer_lowered;
	s8 =	simm.s32 $_tile_overlayer_lowered  }
0xa1: {  	s22 =	simm.s32 $0x1BFF;
	s21 =	sshll.u32 s8, $0x1;
	s5 =	sadd.s32 s6, s19  }
0xa2: {  	s9 =	simm.s32 $0x0;
	s20 =	sshll.u32 s7, $0x1;
	s7 =	sadd.s32 s21, s5  }
0xa3: {  	[timem:s9], [sflag:s22] =	dma.local [hbm:s7], s20  }
0xa4: {  	_ =	swait.ge [sflag:s22], s20  }
0xa5: {  	s6 =	ssub.s32 $0x0, s20;
	[sflag:s22] =	ssyncset.done $0x0  }
0xa6: {  	[sflag:s22] =	ssyncadd.s32 s6;
	_ =	sdelay $0x1  }
0xa7: {  	s23 =	simm.s32 $0x1B8B  }
0xa8: {  	_ =	swait.ge [sflag:s23], $0x1  }
0xa9: {  	[sflag:s23] =	ssyncset.done $0x0  }
0xaa: {  	s25 =	simm.s32 $0x1B8E;
	s24 =	sld [smem:$0x3FFE];
	[sflag:s23] =	ssyncadd.s32 $0xFFFFFFFF  }
0xab: {  	s26 =	simm.s32 $execute0_lowered;
	[smem:$0x3FD2] =	sst s25  }
0xac: {  	s7 =	sshll.u32 s26, $0x1;
	_ =	strace $0x80000049;
	[dreg:$0x1] =	wrdreg $0xFFFFFFFF  }
0xad: {  	s28 =	simm.s32 $_size_execute0_lowered;
	s5 =	sadd.s32 s5, s7;
	[dreg:$0x0] =	wrdreg $0x0  }
0xae: {  	s7 =	sshll.u32 s28, $0x1;
	[dreg:$0x2] =	wrdreg s5  }
0xaf: {  	[dreg:$0x3] =	wrdreg s7  }
0xb0: {  	[dreg:$0x4] =	wrdreg $0xC0  }
0xb1: {  	_ =	task [dreg:s9], $0x5FFFF  }
0xb2: {  	[dreg:$0x1] =	wrdreg $0xFFFFFFFF  }
0xb3: {  	[dreg:$0x0] =	wrdreg $0x60  }
0xb4: {  	[dreg:$0x2] =	wrdreg s16  }
0xb5: {  	[dreg:$0x3] =	wrdreg s24  }
0xb6: {  	[dreg:$0x4] =	wrdreg s15  }
0xb7: {  	[dreg:$0x5] =	wrdreg s17  }
0xb8: {  	[dreg:$0x6] =	wrdreg $0xB9800  }
0xb9: {  	[dreg:$0x7] =	wrdreg $0x9  }
0xba: {  	_ =	task.clear_ibuf [dreg:s9], $0x8FFFF;
	_ =	strace $0x90000049  }
0xbb: {  	s29 =	simm.s32 $0x9;
	_ =	strace $0x8000004B  }
0xbc: {  	_ =	swait.ge [sflag:s29], $0x1  }
0xbd: {  	[sflag:s29] =	ssyncadd.s32 $0xFFFFFFFF  }
0xbe: {  	_ =	strace $0x9000004B  }
0xbf: {  	_ =	sfence  }
0xc0: {  	s30 =	sld [smem:$0x0];
	_ =	sdelay $0x2  }
0xc1: {  	s31 =	sshll.u32 s1, $0xD;
	s1 =	sshrl.u32 s1, $0x2  }
0xc2: {  	s3 =	sand.u32 $0x4000, s31;
	s1 =	sadd.s32 s1, s30  }
0xc3: {  	s0 =	sor.u32 s3, s0;
	s1 =	sshll.u32 s1, $0x11  }
0xc4: {  	s0 =	sor.u32 s1, s0  }
0xc5: {  	s0 =	sadd.s32 $0x8F2B, s0  }
0xc6: {  	[sflag:s0] =	ssyncadd.remote.s32 $0x1  }
0xc7: {  	_ =	sfence.sel $0xFFFF  }
0xc8: {  	[dreg:$0x0] =	wrdreg $0xFFFFFFFF;
	(pc) =	sbr.abs _section_cstart, $3  }
0xc9: {  	[dreg:$0x1] =	wrdreg $0xFFFFFFFF  }
0xca: {  	_ =	task.clear_ibuf [dreg:s9], $0x2FFFF;
	_ =	strace $0x9FFFFFFF  }
0xcb: {  	(tm) =	ssettm $0x7FFFFFFF  }
tec
execute0_lowered:
.L_overlay_start_1:
0x0: {  	(tag) =	ssettag $0x1  }
0x1: {  	s1 =	rddreg [dreg:$0x0]  }
0x2: {  	s0 =	rddreg [dreg:$0x1]  }
0x3: {  	s3 =	rddreg [dreg:$0x3]  }
0x4: {  	s4 =	rddreg [dreg:$0x4];
	s5 =	simm.s32 $0x0;
	s11 =	srdreg.scid  }
0x5: {  	s9 =	stileid.u32;
	s23 =	simm.s32 $0x4;
	s25 =	simm.s32 $0x2800  }
0x6: {  	s26 =	simm.s32 $0x0;
	[smem:$0x7FF] =	sst s5;
	s6 =	sadd.s32 $0x63600, s0  }
0x7: {  	s7 =	sadd.s32 $0x1800, s0;
	s8 =	sadd.s32 $0xB600, s0;
	s10 =	sadd.s32 $0x593800, s0  }
0x8: {  	s11 =	sand.u32 $0x1, s11;
	s12 =	smul.u32 $0x4E000, s9;
	s0 =	sadd.s32 $0x545600, s0  }
0x9: {  	s14 =	smul.u32 $0x13800, s9;
	p0 =	sne.s32 s9, $0x0;
	s13 =	ssub.s32 $0x2, s11  }
0xa: {  	_ =	strace $0x8000004A;
	s18 =	smul.u32 $0x138800, s11;
	s15 =	sshrl.u32 s13, $0x1  }
0xb: {  	s16 =	sshrl.u32 s12, $0x2;
	s12 =	sshll.u32 s9, $0x1;
	s19 =	sadd.s32 $0x6800, s14  }
0xc: {  	s20 =	sadd.s32 $0xD000, s14;
	s21 =	ssub.s32 s13, s15;
	s13 =	sadd.s32 s16, s4  }
0xd: {  	s29 =	sadd.s32 s14, s18;
	s14 =	sadd.s32 s19, s4;
	s15 =	sadd.s32 s20, s4  }
.Ltmp0:
0xe: {  	s16 =	sadd.s32 $0x138000, s4;
	s19 =	sadd.s32 s18, s19;
	(pc) =	sbr.rel .LBB2_1-.Ltmp0, $4  }
0xf: {  	s20 =	sadd.s32 s18, s20;
	s22 =	sshrl.u32 s18, $0x3;
	s17 =	sshrl.u32 s29, $0x3  }
0x10: {  	s19 =	sshrl.u32 s19, $0x3;
	s30 =	sshrl.u32 s20, $0x3;
	s31 =	sadd.s32 s0, s22  }
0x11: {  	s21 =	smax.u32 s21, $0x1;
	s22 =	simm.s32 $0x5180;
	s17 =	sadd.s32 s0, s17  }
0x12: {  	v0 =	vimm.f32 $0.0e+00;
	s18 =	sadd.s32 s0, s19;
	s19 =	sadd.s32 s0, s30;
	s20 =	sadd.s32 $0x27000, s31  }
.LBB2_19:
0x13: {  	s0 =	sshll.u32 s9, $0x6  }
0x14: {  	[bflag:$0x0] =	sbarrier.arrive $0xFFFF;
	s2 =	sshrl.u32 s13, $0x3;
	s0 =	sor.u32 $0x1C04, s0  }
0x15: {  	[hbm:s17], [sflag:s0] =	dma.local [spmem:s2], $0xD00  }
0x16: {  	_ =	swait.ge [sflag:s23], $0xD00  }
0x17: {  	[sflag:s23] =	ssyncset.done $0x0  }
0x18: {  	s30 =	sshrl.u32 s14, $0x3;
	[sflag:s23] =	ssyncadd.s32 $0xFFFFF300  }
0x19: {  	[hbm:s18], [sflag:s0] =	dma.local [spmem:s30], $0xD00  }
0x1a: {  	_ =	swait.ge [sflag:s23], $0xD00  }
0x1b: {  	[sflag:s23] =	ssyncset.done $0x0  }
0x1c: {  	s31 =	sshrl.u32 s15, $0x3;
	[sflag:s23] =	ssyncadd.s32 $0xFFFFF300  }
0x1d: {  	[hbm:s19], [sflag:s0] =	dma.local [spmem:s31], $0xD00  }
0x1e: {  	_ =	swait.ge [sflag:s23], $0xD00  }
0x1f: {  	s26 =	sadd.s32 $0x1, s26;
	[sflag:s23] =	ssyncset.done $0x0  }
0x20: {  	p1 =	sne.s32 s26, s21;
	s2 =	sshrl.u32 @!p0 s16, $0x3;
	[sflag:s23] =	ssyncadd.s32 $0xFFFFF300  }
0x21: {  	[hbm:s20], [sflag:s0] =	dma.local @!p0 [spmem:s2], $0x100  }
.Ltmp1:
0x22: {  	_ = 	snop;
	(pc) =	sbr.rel @!p1 .LBB2_20-.Ltmp1, $4  }
0x23: {  	s0 =	simm.s32 @!p0 $0x4  }
0x24: {  	_ =	swait.ge @!p0 [sflag:s0], $0x100  }
0x25: {  	[sflag:s0] =	ssyncset.done @!p0 $0x0  }
0x26: {  	[sflag:s0] =	ssyncadd.s32 @!p0 $0xFFFFFF00  }
.LBB2_1:
0x27: {  	s0 =	simm.s32 $0x0;
	s28 =	simm.s32 $0x200  }
.LBB2_2:
0x28: {  	p1 =	sne.s32 s28, $0x19E00;
	[tilespmem:s0+$0x51F0] =	vst v0  }
0x29: {  	[tilespmem:s0+$0x5180] =	vst v0  }
0x2a: {  	[tilespmem:s0+$0x5190] =	vst v0  }
.Ltmp2:
0x2b: {  	[tilespmem:s0+$0x51A0] =	vst v0;
	(pc) =	sbr.rel @p1 .LBB2_2-.Ltmp2, $4  }
0x2c: {  	[tilespmem:s0+$0x51B0] =	vst v0  }
0x2d: {  	[tilespmem:s0+$0x51C0] =	vst v0  }
0x2e: {  	[tilespmem:s0+$0x51D0] =	vst v0  }
0x2f: {  	[tilespmem:s0+$0x51E0] =	vst v0;
	s0 =	sshra.s32 s28, $0x2;
	s28 =	sadd.s32 $0x200, s28  }
0x30: {  	[tilespmem:s0+$0x51F0] =	vst v0  }
0x31: {  	[tilespmem:s0+$0x5180] =	vst v0  }
0x32: {  	[tilespmem:s0+$0x5190] =	vst v0  }
0x33: {  	[tilespmem:s0+$0x51A0] =	vst v0  }
0x34: {  	[tilespmem:s0+$0x51B0] =	vst v0  }
0x35: {  	[tilespmem:s0+$0x51C0] =	vst v0  }
0x36: {  	[tilespmem:s0+$0x51D0] =	vst v0  }
0x37: {  	[tilespmem:s0+$0x51E0] =	vst v0  }
0x38: {  	[spmem:s13] =	stream.linear.scatter [tilespmem:s22], [sflag:$0x4], $0x6800, $0x38;
	[tilespmem:$0x1F200] =	vst v63  }
0x39: {  	_ =	swait.ge [sflag:s23], $0x6800  }
0x3a: {  	[sflag:s23] =	ssyncset.done $0x0  }
0x3b: {  	[sflag:s23] =	ssyncadd.s32 $0xFFFF9800  }
0x3c: {  	[spmem:s14] =	stream.linear.scatter [tilespmem:s22], [sflag:$0x4], $0x6800, $0x38;
	[tilespmem:$0x1F200] =	vst v63  }
0x3d: {  	_ =	swait.ge [sflag:s23], $0x6800  }
0x3e: {  	[sflag:s23] =	ssyncset.done $0x0  }
0x3f: {  	[sflag:s23] =	ssyncadd.s32 $0xFFFF9800  }
0x40: {  	[spmem:s15] =	stream.linear.scatter [tilespmem:s22], [sflag:$0x4], $0x6800, $0x38;
	[tilespmem:$0x1F200] =	vst v63  }
0x41: {  	_ =	swait.ge [sflag:s23], $0x6800  }
0x42: {  	[sflag:s23] =	ssyncset.done $0x0  }
0x43: {  	s0 =	simm.s32 @!p0 $0x5180;
	[sflag:s23] =	ssyncadd.s32 $0xFFFF9800  }
0x44: {  	[spmem:s16] =	stream.linear.scatter @!p0 [tilespmem:s0], [sflag:$0x4], $0x800, $0x38;
	[tilespmem:$0x1F200] =	vst v63  }
0x45: {  	s0 =	simm.s32 @!p0 $0x4  }
0x46: {  	_ =	swait.ge @!p0 [sflag:s0], $0x800  }
0x47: {  	[sflag:s0] =	ssyncset.done @!p0 $0x0  }
0x48: {  	[sflag:s0] =	ssyncadd.s32 @!p0 $0xFFFFF800  }
0x49: {  	s28 =	simm.s32 $0x0;
	s2 =	simm.s32 $0x5100;
	s0 =	rddreg [dreg:$0x2]  }
0x4a: {  	[tilespmem:s2], [sflag:$0x4] =	stream.linear.gather [hbm4b:s0+s28], $0x80, $0x38;
	[tilespmem:$0x1F200] =	vst v63  }
.Ltmp3:
0x4b: {  	_ =	swait.ge [sflag:s23], $0x80;
	(pc) =	sbr.rel .LBB2_4-.Ltmp3, $3  }
0x4c: {  	[sflag:s23] =	ssyncset.done $0x0  }
0x4d: {  	[sflag:s23] =	ssyncadd.s32 $0xFFFFFF80  }
0x4e: {  	[bflag:$0x0] =	sbarrier.arrive $0xFFFF;
	_ =	sdelay $0x1  }
.LBB2_17:
0x4f: {  	v2 =	vld [tilespmem:$0x5100];
	_ =	sdelay $0x4  }
0x50: {  	v1 =	vadd.f32 v2, v1;
	_ =	sdelay $0x1  }
0x51: {  	[tilespmem:s30+$0x2800] =	vst v1;
	v1 =	vld [tilespmem:s30+$0x10]  }
0x52: {  	v2 =	vld [tilespmem:$0x5110];
	_ =	sdelay $0x4  }
0x53: {  	v1 =	vadd.f32 v2, v1;
	_ =	sdelay $0x1  }
0x54: {  	[tilespmem:s30+$0x2810] =	vst v1;
	v1 =	vld [tilespmem:s30+$0x20]  }
0x55: {  	v2 =	vld [tilespmem:$0x5120];
	_ =	sdelay $0x4  }
0x56: {  	v1 =	vadd.f32 v2, v1;
	_ =	sdelay $0x1  }
0x57: {  	[tilespmem:s30+$0x2820] =	vst v1;
	v1 =	vld [tilespmem:s30+$0x30]  }
0x58: {  	v2 =	vld [tilespmem:$0x5130];
	_ =	sdelay $0x4  }
0x59: {  	v1 =	vadd.f32 v2, v1;
	_ =	sdelay $0x1  }
0x5a: {  	[tilespmem:s30+$0x2830] =	vst v1;
	v1 =	vld [tilespmem:s30+$0x40]  }
0x5b: {  	v2 =	vld [tilespmem:$0x5140];
	_ =	sdelay $0x4  }
0x5c: {  	v1 =	vadd.f32 v2, v1;
	_ =	sdelay $0x1  }
0x5d: {  	[tilespmem:s30+$0x2840] =	vst v1;
	v1 =	vld [tilespmem:s30+$0x50]  }
0x5e: {  	v2 =	vld [tilespmem:$0x5150];
	_ =	sdelay $0x4  }
0x5f: {  	v1 =	vadd.f32 v2, v1;
	_ =	sdelay $0x1  }
0x60: {  	[tilespmem:s30+$0x2850] =	vst v1;
	v1 =	vld [tilespmem:s30+$0x60]  }
0x61: {  	v2 =	vld [tilespmem:$0x5160];
	_ =	sdelay $0x4  }
0x62: {  	v1 =	vadd.f32 v2, v1;
	_ =	sdelay $0x1  }
0x63: {  	[tilespmem:s30+$0x2860] =	vst v1;
	v1 =	vld [tilespmem:s30+$0x70]  }
0x64: {  	v2 =	vld [tilespmem:$0x5170];
	_ =	sdelay $0x2  }
0x65: {  	s0 =	smul.u32 $0x2800, s29;
	_ =	sdelay $0x1  }
0x66: {  	s0 =	sadd.s32 $0xFFEC7800, s0;
	v1 =	vadd.f32 v2, v1  }
0x67: {  	s0 =	sshrl.u32 s0, $0x3  }
0x68: {  	s0 =	sadd.s32 s3, s0;
	[tilespmem:s30+$0x2870] =	vst v1  }
0x69: {  	[hbm4b:s0+s5] =	stream.linear.scatter [tilespmem:s25], [sflag:$0x3], $0x2800, $0x38;
	[tilespmem:$0x1F200] =	vst v63  }
.LBB2_18:
0x6a: {  	s28 =	sadd.s32 $0x1, s28  }
0x6b: {  	p1 =	sne.s32 s28, $0x81  }
.Ltmp4:
0x6c: {  	_ = 	snop;
	(pc) =	sbr.rel @!p1 .LBB2_19-.Ltmp4, $1  }
0x6d: {  	_ =	sdelay $0x3  }
.LBB2_4:
0x6e: {  	s0 =	sshll.u32 s28, $0x5  }
0x6f: {  	s0 =	sor.u32 s0, s12  }
0x70: {  	s29 =	sor.u32 s11, s0  }
0x71: {  	p1 =	sgt.u32 s29, $0x101C  }
.Ltmp5:
0x72: {  	_ = 	snop;
	(pc) =	sbr.rel @p1 .LBB2_18-.Ltmp5, $1  }
0x73: {  	_ =	sdelay $0x3  }
0x74: {  	p1 =	sgt.u32 s29, $0x7C  }
0x75: {  	s0 =	smul.u32 @p1 $0x2800, s29  }
0x76: {  	p2 =	seq.s32 s28, $0x0  }
0x77: {  	s30 =	simm.s32 @!p2 $0x3;
	s31 =	smul.u32 @!p1 $0x500, s29;
	s0 =	sadd.s32 @p1 $0xFFEC7800, s0  }
0x78: {  	_ =	swait.ge @!p2 [sflag:s30], $0x2800;
	s0 =	sshrl.u32 @p1 s0, $0x3  }
0x79: {  	[sflag:s30] =	ssyncset.done @!p2 $0x0;
	s31 =	sadd.s32 @!p1 s1, s31;
	s0 =	sadd.s32 @p1 s6, s0  }
0x7a: {  	[sflag:s30] =	ssyncadd.s32 @!p2 $0xFFFFD800;
	p2 =	sgt.u32 s28, $0x7C;
	s31 =	smov.u32 @p1 s0  }
0x7b: {  	[tilespmem:s5], [sflag:$0x4] =	stream.linear.gather [hbm4b:s31+s5], $0x2800, $0x38;
	[tilespmem:$0x1F200] =	vst v63  }
0x7c: {  	s0 =	smul.u32 @!p2 $0xA, s29;
	_ =	swait.ge [sflag:s23], $0x2800  }
0x7d: {  	s2 =	simm.s32 @!p2 $0x5000;
	[sflag:s23] =	ssyncset.done $0x0  }
0x7e: {  	s31 =	simm.s32 @!p2 $0x0;
	s30 =	sadd.s32 @!p2 s7, s0;
	[sflag:s23] =	ssyncadd.s32 $0xFFFFD800  }
0x7f: {  	[tilespmem:s2], [sflag:$0x2] =	stream.linear.gather @!p2 [hbm4b:s30+s31], $0x50, $0x38;
	[tilespmem:$0x1F200] =	vst v63  }
0x80: {  	s0 =	sadd.s32 @!p2 s8, s0;
	s30 =	simm.s32 @!p2 $0x5080  }
0x81: {  	[tilespmem:s30], [sflag:$0x2] =	stream.linear.gather @!p2 [hbm4b:s0+s31], $0x50, $0x38;
	[tilespmem:$0x1F200] =	vst v63  }
0x82: {  	s0 =	simm.s32 @!p2 $0x2  }
0x83: {  	_ =	swait.ge @!p2 [sflag:s0], $0x50  }
0x84: {  	[sflag:s0] =	ssyncset.done @!p2 $0x0  }
0x85: {  	[sflag:s0] =	ssyncadd.s32 @!p2 $0xFFFFFFB0  }
0x86: {  	_ =	swait.ge @!p2 [sflag:s0], $0x50  }
0x87: {  	[sflag:s0] =	ssyncset.done @!p2 $0x0  }
0x88: {  	s24 =	simm.s32 @!p2 $0x2800;
	[sflag:s0] =	ssyncadd.s32 @!p2 $0xFFFFFFB0;
	s0 =	simm.s32 @!p2 $0x50  }
0x89: {  	[tilespmem:s24], [sflag:$0x1] =	stream.indirect.gather @!p2 [hbm4b:s1+s0], $0x80, s2, s0, $0xb8;
	[tilespmem:$0x1F200] =	vst v63  }
0x8a: {  	s2 =	simm.s32 @!p2 $0x1  }
0x8b: {  	_ =	swait.ge @!p2 [sflag:s2], $0x2800  }
0x8c: {  	[sflag:s2] =	ssyncset.done @!p2 $0x0  }
0x8d: {  	[sflag:s2] =	ssyncadd.s32 @!p2 $0xFFFFD800  }
0x8e: {  	[spmem:s4] =	stream.indirect.scatter.add.f32 @!p2 [tilespmem:s31], [sflag:$0x4], $0x80, s30, s0, $0xb8;
	[tilespmem:$0x1F200] =	vst v63  }
.Ltmp6:
0x8f: {  	_ = 	snop;
	(pc) =	sbr.rel @p1 .LBB2_9-.Ltmp6, $4  }
0x90: {  	s0 =	simm.s32 @!p2 $0x4  }
0x91: {  	_ =	swait.ge @!p2 [sflag:s0], $0x2800  }
0x92: {  	[sflag:s0] =	ssyncset.done @!p2 $0x0  }
0x93: {  	[sflag:s0] =	ssyncadd.s32 @!p2 $0xFFFFD800  }
0x94: {  	s30 =	simm.s32 $0x0  }
0x95: {  	v8 =	vld [tilespmem:s30+$0x0]  }
0x96: {  	v12 =	vld [tilespmem:s30+$0x10]  }
0x97: {  	v6 =	vld [tilespmem:s30+$0x20]  }
0x98: {  	v5 =	vld [tilespmem:s30+$0x30]  }
0x99: {  	v4 =	vld [tilespmem:s30+$0x40]  }
0x9a: {  	v3 =	vld [tilespmem:s30+$0x50]  }
0x9b: {  	v2 =	vld [tilespmem:s30+$0x60]  }
0x9c: {  	v1 =	vld [tilespmem:s30+$0x70]  }
0x9d: {  	v13 =	vld [tilespmem:s30+$0x2800]  }
0x9e: {  	v14 =	vld [tilespmem:s30+$0x2810]  }
0x9f: {  	v11 =	vld [tilespmem:s30+$0x2820]  }
0xa0: {  	v10 =	vld [tilespmem:s30+$0x2830]  }
0xa1: {  	v9 =	vld [tilespmem:s30+$0x2840]  }
0xa2: {  	v7 =	vld [tilespmem:s30+$0x2850];
	v13 =	vadd.f32 v8, v13  }
0xa3: {  	s0 =	simm.s32 $0x200;
	v12 =	vadd.f32 v12, v14;
	v8 =	vld [tilespmem:s30+$0x2860]  }
.LBB2_7:
0xa4: {  	s2 =	sshra.s32 s0, $0x2;
	p1 =	sne.s32 s0, $0x9E00;
	[tilespmem:s30+$0x2800] =	vst v13;
	v6 =	vadd.f32 v6, v11;
	v11 =	vld [tilespmem:s30+$0x2870]  }
0xa5: {  	v13 =	vld [tilespmem:s2+$0x0];
	[tilespmem:s30+$0x2810] =	vst v12;
	v5 =	vadd.f32 v5, v10  }
0xa6: {  	v12 =	vld [tilespmem:s2+$0x10];
	[tilespmem:s30+$0x2820] =	vst v6;
	v4 =	vadd.f32 v4, v9  }
0xa7: {  	v6 =	vld [tilespmem:s2+$0x20];
	[tilespmem:s30+$0x2830] =	vst v5;
	v3 =	vadd.f32 v3, v7  }
0xa8: {  	v5 =	vld [tilespmem:s2+$0x30];
	[tilespmem:s30+$0x2840] =	vst v4;
	v2 =	vadd.f32 v2, v8  }
0xa9: {  	v4 =	vld [tilespmem:s2+$0x40];
	[tilespmem:s30+$0x2850] =	vst v3;
	v1 =	vadd.f32 v1, v11  }
0xaa: {  	v3 =	vld [tilespmem:s2+$0x50];
	[tilespmem:s30+$0x2860] =	vst v2  }
0xab: {  	v2 =	vld [tilespmem:s2+$0x60];
	[tilespmem:s30+$0x2870] =	vst v1;
	s30 =	smov.u32 s2  }
0xac: {  	v1 =	vld [tilespmem:s30+$0x70]  }
0xad: {  	v7 =	vld [tilespmem:s30+$0x2800]  }
0xae: {  	v8 =	vld [tilespmem:s30+$0x2810]  }
.Ltmp7:
0xaf: {  	v11 =	vld [tilespmem:s30+$0x2820];
	(pc) =	sbr.rel @p1 .LBB2_7-.Ltmp7, $4  }
0xb0: {  	v10 =	vld [tilespmem:s30+$0x2830]  }
0xb1: {  	v9 =	vld [tilespmem:s30+$0x2840]  }
0xb2: {  	v13 =	vadd.f32 v13, v7;
	v7 =	vld [tilespmem:s30+$0x2850]  }
0xb3: {  	s0 =	sadd.s32 $0x200, s0;
	v12 =	vadd.f32 v12, v8;
	v8 =	vld [tilespmem:s30+$0x2860]  }
0xb4: {  	[tilespmem:s30+$0x2800] =	vst v13;
	v6 =	vadd.f32 v6, v11;
	v63 =	vld [tilespmem:s30+$0x2870]  }
0xb5: {  	[tilespmem:s30+$0x2810] =	vst v12;
	v5 =	vadd.f32 v5, v10  }
0xb6: {  	[tilespmem:s30+$0x2820] =	vst v6;
	v4 =	vadd.f32 v4, v9  }
.Ltmp8:
0xb7: {  	[tilespmem:s30+$0x2830] =	vst v5;
	v3 =	vadd.f32 v3, v7;
	(pc) =	sbr.rel .LBB2_13-.Ltmp8, $4  }
0xb8: {  	[tilespmem:s30+$0x2840] =	vst v4;
	v2 =	vadd.f32 v2, v8  }
0xb9: {  	s0 =	smul.u32 $0x500, s29;
	[tilespmem:s30+$0x2850] =	vst v3;
	v1 =	vadd.f32 v1, v63  }
0xba: {  	[tilespmem:s30+$0x2860] =	vst v2  }
0xbb: {  	s0 =	sadd.s32 s10, s0;
	[tilespmem:s30+$0x2870] =	vst v1  }
.LBB2_9:
0xbc: {  	s0 =	sadd.s32 $0xFFFFFF83, s29  }
0xbd: {  	p1 =	sgt.u32 s0, $0xF22  }
.Ltmp9:
0xbe: {  	_ = 	snop;
	(pc) =	sbr.rel @p1 .LBB2_14-.Ltmp9, $1  }
0xbf: {  	_ =	sdelay $0x3  }
0xc0: {  	s30 =	simm.s32 $0x0  }
0xc1: {  	v1 =	vld [tilespmem:s30+$0x0]  }
0xc2: {  	v2 =	vld [tilespmem:s30+$0x2800];
	_ =	sdelay $0x3  }
0xc3: {  	v3 =	vld [tilespmem:$0x5100]  }
0xc4: {  	v1 =	vadd.f32 v1, v2;
	_ =	sdelay $0x1  }
0xc5: {  	v4 =	vld [tilespmem:s30+$0x2810];
	v1 =	vmul.f32 $7.071067690e-01, v1  }
0xc6: {  	v2 =	vld [tilespmem:s30+$0x10]  }
0xc7: {  	v1 =	vadd.f32 v1, v3;
	_ =	sdelay $0x1  }
0xc8: {  	[tilespmem:s30+$0x2800] =	vst v1  }
0xc9: {  	v1 =	vld [tilespmem:$0x5110]  }
0xca: {  	v2 =	vadd.f32 v2, v4;
	_ =	sdelay $0x1  }
0xcb: {  	v3 =	vld [tilespmem:s30+$0x20];
	v2 =	vmul.f32 $7.071067690e-01, v2  }
0xcc: {  	v4 =	vld [tilespmem:s30+$0x2820]  }
0xcd: {  	v1 =	vadd.f32 v2, v1;
	_ =	sdelay $0x1  }
0xce: {  	[tilespmem:s30+$0x2810] =	vst v1  }
0xcf: {  	v1 =	vld [tilespmem:$0x5120]  }
0xd0: {  	v2 =	vadd.f32 v3, v4;
	_ =	sdelay $0x1  }
0xd1: {  	v3 =	vld [tilespmem:s30+$0x30];
	v2 =	vmul.f32 $7.071067690e-01, v2  }
0xd2: {  	v4 =	vld [tilespmem:s30+$0x2830]  }
0xd3: {  	v1 =	vadd.f32 v2, v1;
	_ =	sdelay $0x1  }
0xd4: {  	[tilespmem:s30+$0x2820] =	vst v1  }
0xd5: {  	v1 =	vld [tilespmem:$0x5130]  }
0xd6: {  	v2 =	vadd.f32 v3, v4;
	_ =	sdelay $0x1  }
0xd7: {  	v3 =	vld [tilespmem:s30+$0x40];
	v2 =	vmul.f32 $7.071067690e-01, v2  }
0xd8: {  	v4 =	vld [tilespmem:s30+$0x2840]  }
0xd9: {  	v1 =	vadd.f32 v2, v1;
	_ =	sdelay $0x1  }
0xda: {  	[tilespmem:s30+$0x2830] =	vst v1  }
0xdb: {  	v1 =	vld [tilespmem:$0x5140]  }
0xdc: {  	v2 =	vadd.f32 v3, v4;
	_ =	sdelay $0x1  }
0xdd: {  	v3 =	vld [tilespmem:s30+$0x50];
	v2 =	vmul.f32 $7.071067690e-01, v2  }
0xde: {  	v4 =	vld [tilespmem:s30+$0x2850]  }
0xdf: {  	v1 =	vadd.f32 v2, v1;
	_ =	sdelay $0x1  }
0xe0: {  	[tilespmem:s30+$0x2840] =	vst v1  }
0xe1: {  	v1 =	vld [tilespmem:$0x5150]  }
0xe2: {  	v2 =	vadd.f32 v3, v4;
	_ =	sdelay $0x1  }
0xe3: {  	v3 =	vld [tilespmem:s30+$0x60];
	v2 =	vmul.f32 $7.071067690e-01, v2  }
0xe4: {  	v4 =	vld [tilespmem:s30+$0x2860]  }
0xe5: {  	v1 =	vadd.f32 v2, v1;
	_ =	sdelay $0x1  }
0xe6: {  	[tilespmem:s30+$0x2850] =	vst v1  }
0xe7: {  	v1 =	vld [tilespmem:$0x5160]  }
0xe8: {  	v2 =	vadd.f32 v3, v4;
	_ =	sdelay $0x1  }
0xe9: {  	v3 =	vld [tilespmem:s30+$0x70];
	v2 =	vmul.f32 $7.071067690e-01, v2  }
0xea: {  	v4 =	vld [tilespmem:s30+$0x2870]  }
0xeb: {  	v1 =	vadd.f32 v2, v1;
	_ =	sdelay $0x1  }
0xec: {  	[tilespmem:s30+$0x2860] =	vst v1  }
0xed: {  	v2 =	vld [tilespmem:$0x5170]  }
0xee: {  	v3 =	vadd.f32 v3, v4  }
0xef: {  	s0 =	simm.s32 $0x80  }
0xf0: {  	s31 =	simm.s32 $0x400;
	v3 =	vmul.f32 $7.071067690e-01, v3;
	v1 =	vld [tilespmem:s0+$0x0]  }
.LBB2_11:
0xf1: {  	p1 =	sne.s32 s31, $0x9E00;
	v4 =	vld [tilespmem:s0+$0x2800]  }
0xf2: {  	v2 =	vadd.f32 v3, v2;
	_ =	sdelay $0x1  }
0xf3: {  	[tilespmem:s30+$0x2870] =	vst v2;
	s30 =	smov.u32 s0  }
0xf4: {  	v2 =	vld [tilespmem:$0x5100]  }
0xf5: {  	v1 =	vadd.f32 v1, v4;
	_ =	sdelay $0x1  }
0xf6: {  	v1 =	vmul.f32 $7.071067690e-01, v1;
	v3 =	vld [tilespmem:s30+$0x10]  }
0xf7: {  	v4 =	vld [tilespmem:s30+$0x2810]  }
0xf8: {  	v1 =	vadd.f32 v1, v2;
	_ =	sdelay $0x1  }
0xf9: {  	[tilespmem:s30+$0x2800] =	vst v1  }
0xfa: {  	v1 =	vld [tilespmem:$0x5110]  }
0xfb: {  	v2 =	vadd.f32 v3, v4;
	_ =	sdelay $0x1  }
0xfc: {  	v2 =	vmul.f32 $7.071067690e-01, v2;
	v3 =	vld [tilespmem:s30+$0x20]  }
0xfd: {  	v4 =	vld [tilespmem:s30+$0x2820]  }
0xfe: {  	v1 =	vadd.f32 v2, v1;
	_ =	sdelay $0x1  }
0xff: {  	[tilespmem:s30+$0x2810] =	vst v1  }
0x100: {  	v1 =	vld [tilespmem:$0x5120]  }
0x101: {  	v2 =	vadd.f32 v3, v4;
	_ =	sdelay $0x1  }
0x102: {  	v2 =	vmul.f32 $7.071067690e-01, v2;
	v3 =	vld [tilespmem:s30+$0x30]  }
0x103: {  	v4 =	vld [tilespmem:s30+$0x2830]  }
0x104: {  	v1 =	vadd.f32 v2, v1;
	_ =	sdelay $0x1  }
0x105: {  	[tilespmem:s30+$0x2820] =	vst v1  }
0x106: {  	v1 =	vld [tilespmem:$0x5130]  }
0x107: {  	v2 =	vadd.f32 v3, v4;
	_ =	sdelay $0x1  }
0x108: {  	v2 =	vmul.f32 $7.071067690e-01, v2;
	v3 =	vld [tilespmem:s30+$0x40]  }
0x109: {  	v4 =	vld [tilespmem:s30+$0x2840]  }
0x10a: {  	v1 =	vadd.f32 v2, v1;
	_ =	sdelay $0x1  }
0x10b: {  	[tilespmem:s30+$0x2830] =	vst v1  }
0x10c: {  	v1 =	vld [tilespmem:$0x5140]  }
0x10d: {  	v2 =	vadd.f32 v3, v4;
	_ =	sdelay $0x1  }
0x10e: {  	v2 =	vmul.f32 $7.071067690e-01, v2;
	v3 =	vld [tilespmem:s30+$0x50]  }
0x10f: {  	v4 =	vld [tilespmem:s30+$0x2850]  }
0x110: {  	v1 =	vadd.f32 v2, v1;
	_ =	sdelay $0x1  }
0x111: {  	[tilespmem:s30+$0x2840] =	vst v1  }
0x112: {  	v1 =	vld [tilespmem:$0x5150]  }
0x113: {  	v2 =	vadd.f32 v3, v4;
	_ =	sdelay $0x1  }
0x114: {  	v2 =	vmul.f32 $7.071067690e-01, v2;
	v3 =	vld [tilespmem:s30+$0x60]  }
0x115: {  	v4 =	vld [tilespmem:s30+$0x2860]  }
0x116: {  	v1 =	vadd.f32 v2, v1;
	_ =	sdelay $0x1  }
0x117: {  	[tilespmem:s30+$0x2850] =	vst v1  }
0x118: {  	v1 =	vld [tilespmem:$0x5160]  }
0x119: {  	v2 =	vadd.f32 v3, v4;
	_ =	sdelay $0x1  }
0x11a: {  	v2 =	vmul.f32 $7.071067690e-01, v2;
	v3 =	vld [tilespmem:s30+$0x70]  }
0x11b: {  	v4 =	vld [tilespmem:s30+$0x2870]  }
0x11c: {  	v1 =	vadd.f32 v2, v1;
	_ =	sdelay $0x1  }
.Ltmp10:
0x11d: {  	[tilespmem:s30+$0x2860] =	vst v1;
	(pc) =	sbr.rel @p1 .LBB2_11-.Ltmp10, $4  }
0x11e: {  	v2 =	vld [tilespmem:$0x5170]  }
0x11f: {  	v3 =	vadd.f32 v3, v4  }
0x120: {  	s0 =	sshra.s32 s31, $0x2  }
0x121: {  	s31 =	sadd.s32 $0x200, s31;
	v1 =	vld [tilespmem:s0+$0x0];
	v3 =	vmul.f32 $7.071067690e-01, v3  }
0x122: {  	v4 =	vld [tilespmem:s0+$0x2800]  }
0x123: {  	v2 =	vadd.f32 v3, v2;
	_ =	sdelay $0x1  }
0x124: {  	[tilespmem:s30+$0x2870] =	vst v2  }
0x125: {  	v2 =	vld [tilespmem:$0x5100]  }
0x126: {  	v1 =	vadd.f32 v1, v4;
	_ =	sdelay $0x1  }
0x127: {  	v3 =	vld [tilespmem:s0+$0x10];
	v1 =	vmul.f32 $7.071067690e-01, v1  }
0x128: {  	v57 =	vld [tilespmem:s0+$0x2810]  }
0x129: {  	v1 =	vadd.f32 v1, v2;
	_ =	sdelay $0x1  }
0x12a: {  	[tilespmem:s0+$0x2800] =	vst v1  }
0x12b: {  	v1 =	vld [tilespmem:$0x5110]  }
0x12c: {  	v2 =	vadd.f32 v3, v57;
	_ =	sdelay $0x1  }
0x12d: {  	v58 =	vld [tilespmem:s0+$0x2820];
	v2 =	vmul.f32 $7.071067690e-01, v2  }
0x12e: {  	v3 =	vld [tilespmem:s0+$0x20]  }
0x12f: {  	v1 =	vadd.f32 v2, v1;
	_ =	sdelay $0x1  }
0x130: {  	[tilespmem:s0+$0x2810] =	vst v1  }
0x131: {  	v1 =	vld [tilespmem:$0x5120]  }
0x132: {  	v2 =	vadd.f32 v3, v58;
	_ =	sdelay $0x1  }
0x133: {  	v59 =	vld [tilespmem:s0+$0x2830];
	v2 =	vmul.f32 $7.071067690e-01, v2  }
0x134: {  	v3 =	vld [tilespmem:s0+$0x30]  }
0x135: {  	v1 =	vadd.f32 v2, v1;
	_ =	sdelay $0x1  }
0x136: {  	[tilespmem:s0+$0x2820] =	vst v1  }
0x137: {  	v1 =	vld [tilespmem:$0x5130]  }
0x138: {  	v2 =	vadd.f32 v3, v59;
	_ =	sdelay $0x1  }
0x139: {  	v60 =	vld [tilespmem:s0+$0x2840];
	v2 =	vmul.f32 $7.071067690e-01, v2  }
0x13a: {  	v3 =	vld [tilespmem:s0+$0x40]  }
0x13b: {  	v1 =	vadd.f32 v2, v1;
	_ =	sdelay $0x1  }
0x13c: {  	[tilespmem:s0+$0x2830] =	vst v1  }
0x13d: {  	v1 =	vld [tilespmem:$0x5140]  }
0x13e: {  	v2 =	vadd.f32 v3, v60;
	_ =	sdelay $0x1  }
0x13f: {  	v61 =	vld [tilespmem:s0+$0x2850];
	v2 =	vmul.f32 $7.071067690e-01, v2  }
0x140: {  	v3 =	vld [tilespmem:s0+$0x50]  }
0x141: {  	v1 =	vadd.f32 v2, v1;
	_ =	sdelay $0x1  }
0x142: {  	[tilespmem:s0+$0x2840] =	vst v1  }
0x143: {  	v1 =	vld [tilespmem:$0x5150]  }
0x144: {  	v2 =	vadd.f32 v3, v61;
	_ =	sdelay $0x1  }
0x145: {  	v62 =	vld [tilespmem:s0+$0x2860];
	v2 =	vmul.f32 $7.071067690e-01, v2  }
0x146: {  	v3 =	vld [tilespmem:s0+$0x60]  }
0x147: {  	v1 =	vadd.f32 v2, v1;
	_ =	sdelay $0x1  }
0x148: {  	[tilespmem:s0+$0x2850] =	vst v1  }
0x149: {  	v1 =	vld [tilespmem:$0x5160]  }
0x14a: {  	v2 =	vadd.f32 v3, v62;
	_ =	sdelay $0x1  }
0x14b: {  	v63 =	vld [tilespmem:s0+$0x2870];
	v2 =	vmul.f32 $7.071067690e-01, v2  }
0x14c: {  	v3 =	vld [tilespmem:s0+$0x70]  }
0x14d: {  	v1 =	vadd.f32 v2, v1;
	_ =	sdelay $0x1  }
0x14e: {  	[tilespmem:s0+$0x2860] =	vst v1  }
0x14f: {  	v1 =	vld [tilespmem:$0x5170]  }
0x150: {  	v2 =	vadd.f32 v3, v63;
	_ =	sdelay $0x1  }
0x151: {  	s2 =	smul.u32 $0x2800, s29;
	v2 =	vmul.f32 $7.071067690e-01, v2;
	_ =	sdelay $0x1  }
0x152: {  	s2 =	sadd.s32 $0xFFEC7800, s2;
	v1 =	vadd.f32 v2, v1  }
0x153: {  	s2 =	sshrl.u32 s2, $0x3  }
0x154: {  	[tilespmem:s0+$0x2870] =	vst v1;
	s0 =	sadd.s32 s3, s2  }
.LBB2_13:
0x155: {  	[hbm4b:s0+s5] =	stream.linear.scatter [tilespmem:s25], [sflag:$0x3], $0x2800, $0x38;
	[tilespmem:$0x1F200] =	vst v63  }
.LBB2_14:
0x156: {  	p1 =	slt.u32 s28, $0x7D  }
.Ltmp11:
0x157: {  	_ = 	snop;
	(pc) =	sbr.rel @p1 .LBB2_18-.Ltmp11, $1  }
0x158: {  	_ =	sdelay $0x3  }
0x159: {  	s30 =	simm.s32 $0x0  }
0x15a: {  	s31 =	simm.s32 $0x200;
	v1 =	vld [tilespmem:s30+$0x0]  }
.LBB2_16:
0x15b: {  	p1 =	sne.s32 s31, $0x9E00;
	v2 =	vld [tilespmem:$0x5100];
	_ =	sdelay $0x4  }
0x15c: {  	v1 =	vadd.f32 v2, v1;
	_ =	sdelay $0x1  }
0x15d: {  	[tilespmem:s30+$0x2800] =	vst v1;
	v1 =	vld [tilespmem:s30+$0x10]  }
0x15e: {  	v2 =	vld [tilespmem:$0x5110];
	_ =	sdelay $0x4  }
0x15f: {  	v1 =	vadd.f32 v2, v1;
	_ =	sdelay $0x1  }
0x160: {  	[tilespmem:s30+$0x2810] =	vst v1;
	v1 =	vld [tilespmem:s30+$0x20]  }
0x161: {  	v2 =	vld [tilespmem:$0x5120];
	_ =	sdelay $0x4  }
0x162: {  	v1 =	vadd.f32 v2, v1;
	_ =	sdelay $0x1  }
0x163: {  	[tilespmem:s30+$0x2820] =	vst v1;
	v1 =	vld [tilespmem:s30+$0x30]  }
0x164: {  	v2 =	vld [tilespmem:$0x5130];
	_ =	sdelay $0x4  }
0x165: {  	v1 =	vadd.f32 v2, v1;
	_ =	sdelay $0x1  }
0x166: {  	[tilespmem:s30+$0x2830] =	vst v1;
	v1 =	vld [tilespmem:s30+$0x40]  }
0x167: {  	v2 =	vld [tilespmem:$0x5140];
	_ =	sdelay $0x4  }
0x168: {  	v1 =	vadd.f32 v2, v1;
	_ =	sdelay $0x1  }
0x169: {  	[tilespmem:s30+$0x2840] =	vst v1;
	v1 =	vld [tilespmem:s30+$0x50]  }
0x16a: {  	v2 =	vld [tilespmem:$0x5150];
	_ =	sdelay $0x4  }
0x16b: {  	v1 =	vadd.f32 v2, v1;
	_ =	sdelay $0x1  }
0x16c: {  	[tilespmem:s30+$0x2850] =	vst v1;
	v1 =	vld [tilespmem:s30+$0x60]  }
0x16d: {  	v2 =	vld [tilespmem:$0x5160];
	_ =	sdelay $0x4  }
0x16e: {  	v1 =	vadd.f32 v2, v1;
	_ =	sdelay $0x1  }
0x16f: {  	[tilespmem:s30+$0x2860] =	vst v1;
	v1 =	vld [tilespmem:s30+$0x70]  }
0x170: {  	v2 =	vld [tilespmem:$0x5170];
	_ =	sdelay $0x2  }
.Ltmp12:
0x171: {  	(pc) =	sbr.rel @p1 .LBB2_16-.Ltmp12, $4  }
0x172: {  	_ = 	snop  }
0x173: {  	v2 =	vadd.f32 v2, v1  }
0x174: {  	s0 =	sshra.s32 s31, $0x2  }
0x175: {  	s31 =	sadd.s32 $0x200, s31;
	v1 =	vld [tilespmem:s0+$0x0];
	[tilespmem:s30+$0x2870] =	vst v2;
	s30 =	smov.u32 s0  }
.Ltmp13:
0x176: {  	_ = 	snop;
	(pc) =	sbr.rel .LBB2_17-.Ltmp13, $1  }
0x177: {  	_ =	sdelay $0x3  }
.LBB2_20:
0x178: {  	_ =	sfence.sel $0x180000  }
0x179: {  	[bflag:$0x0] =	sbarrier.arrive $0xFFFF  }
0x17a: {  	_ =	strace $0x9000004A  }
0x17b: {  	[bflag:$0x2] =	sbarrier.arrive $0xFFFF  }
0x17c: {  	s0 =	rddreg [dreg:$0x5]  }
0x17d: {  	s0 =	sadd.s32 @!p0 $0x100000, s0  }
0x17e: {  	[sflag:s0] =	ssyncadd.tile.s32 @!p0 $0x1;
	_ =	shalt  }
.Lfunc_end2:
_tile_overlayer_lowered:
.L_overlay_start_2:
0x17f: {  	(tag) =	ssettag $0x2  }
0x180: {  	s0 =	rddreg [dreg:$0x0];
	s2 =	stileid.u32  }
0x181: {  	s1 =	rddreg [dreg:$0x1];
	p0 =	sne.s32 s2, $0x0  }
0x182: {  	s3 =	rddreg [dreg:$0x2];
	[bflag:$0x3] =	sbarrier.arrive $0xFFFF;
	s2 =	simm.s32 @!p0 $0x1C04  }
0x183: {  	[timem:s3], [sflag:s2] =	dma.local @!p0 [hbm:s0], s1  }
0x184: {  	s0 =	simm.s32 @!p0 $0x4  }
0x185: {  	_ =	swait.ge @!p0 [sflag:s0], s1  }
0x186: {  	s1 =	ssub.s32 @!p0 $0x0, s1;
	[sflag:s0] =	ssyncset.done @!p0 $0x0  }
0x187: {  	[sflag:s0] =	ssyncadd.s32 @!p0 s1  }
0x188: {  	[bflag:$0x3] =	sbarrier.arrive $0xFFFF  }
0x189: {  	_ =	shalt  }

// kernel: kernel.7.cloned.1.call-start
scs
__scs_entry_jumppad:
0x0: {  	(pc) =	sbr.rel $0x88, $3  }
0x1: {  	(tag) =	ssettag $0x0;
	lr =	simm.s32 $0x1  }
0x2: {  	[smem:$0x3F9C] =	sst lr;
	_ =	strace $0xD0000000  }
0x3: {  	_ = 	snop  }
0x4: {  	_ = 	snop  }
0x5: {  	_ = 	snop  }
0x6: {  	_ = 	snop  }
0x7: {  	_ = 	snop  }
__scs_overlays_trampoline_lowered:
0x8: {  	[smem:$0x3FAB] =	sst s0  }
0x9: {  	[smem:$0x3FAC] =	sst s1  }
0xa: {  	[smem:$0x3FAD] =	sst s2  }
0xb: {  	[smem:$0x3FAE] =	sst s3  }
0xc: {  	[smem:$0x3FAF] =	sst s4  }
0xd: {  	[smem:$0x3FB0] =	sst s5  }
0xe: {  	[smem:$0x3FB1] =	sst s6  }
0xf: {  	[smem:$0x3FB2] =	sst s7  }
0x10: {  	[smem:$0x3FB3] =	sst s8  }
0x11: {  	[smem:$0x3FB4] =	sst s9;
	s0 =	simm.s32 @!p0 $0x0  }
0x12: {  	s1 =	sld [smem:$0x3F9A];
	s0 =	simm.s32 @p0 $0x1  }
0x13: {  	[smem:$0x3FB5] =	sst s0;
	s0 =	simm.s32 @!p1 $0x0  }
0x14: {  	s2 =	sld [smem:$0x3F99];
	s0 =	simm.s32 @p1 $0x1  }
0x15: {  	[smem:$0x3FB6] =	sst s0;
	s0 =	simm.s32 @!p2 $0x0  }
0x16: {  	s3 =	sld [smem:$0x3FDB];
	s0 =	simm.s32 @p2 $0x1  }
0x17: {  	s4 =	simm.s32 $0x1BF5;
	[smem:$0x3FB8] =	sst s0  }
0x18: {  	s0 =	sld [smem:$0x3F9B];
	_ =	swait.ge [sflag:s4], $0x0  }
0x19: {  	s7 =	sld [smem:$0x3F9C]  }
0x1a: {  	s8 =	sadd.s32 $0xFFFFE003, lr  }
0x1b: {  	s9 =	sadd.s32 $0xFFFFFEF7, lr;
	s5 =	simm.s32 $0xFFFFFFFF;
	p2 =	slt.u32 s8, $0xFFFFF086  }
0x1c: {  	p1 =	slt.u32 s9, $0xF7A;
	s5 =	simm.s32 @!p2 $0x0  }
0x1d: {  	s5 =	simm.s32 @p1 $0x1;
	p0 =	seq.s32 s7, s2  }
0x1e: {  	s7 =	smul.u32 @!p0 $0xF7A, s2;
	p2 =	seq.s32 @!p0 s5, $0x0  }
0x1f: {  	s9 =	smul.u32 $0xF7A, s1;
	s8 =	simm.s32 @!p0 $0x1BF5;
	p2 =	por !p2, p0  }
0x20: {  	[sflag:s8] =	ssyncset.s32 @!p0 $0xFFFFF086;
	s6 =	sadd.s32 @!p0 s3, s7;
	s7 =	simm.s32 @!p0 $0x108  }
0x21: {  	s3 =	sadd.s32 s3, s9;
	s6 =	sadd.s32 @!p0 $0x88, s6;
	s7 =	simm.s32 @p2 $0x1082  }
0x22: {  	[simem:s7], [sflag:s8] =	dma.local @!p0 [hbm:s6], $0xF7A  }
0x23: {  	s9 =	sor.u32 $0xD0000000, s2;
	s6 =	simm.s32 $0x108;
	_ =	swait.ge @!p0 [sflag:s8], $0x0  }
0x24: {  	s3 =	sadd.s32 $0x88, s3;
	s6 =	simm.s32 @!p1 $0x1082;
	[sflag:s4] =	ssyncset.s32 $0xFFFFF086  }
0x25: {  	[simem:s6], [sflag:s4] =	dma.local [hbm:s3], $0xF7A  }
0x26: {  	[smem:$0x3F9C] =	sst s1;
	(tag) =	ssettag s2;
	_ =	strace s9  }
0x27: {  	s1 =	sld [smem:$0x3FAC]  }
0x28: {  	s2 =	sld [smem:$0x3FAD]  }
0x29: {  	s4 =	sld [smem:$0x3FAF]  }
0x2a: {  	p0 =	seq.s32 s5, $0x0;
	s5 =	sld [smem:$0x3FB0]  }
0x2b: {  	s6 =	sld [smem:$0x3FB1]  }
0x2c: {  	s7 =	sld [smem:$0x3FB2]  }
0x2d: {  	s3 =	simm.s32 $0x108;
	s8 =	sld [smem:$0x3FB3]  }
0x2e: {  	s3 =	simm.s32 @!p0 $0x1082;
	s9 =	sld [smem:$0x3FB4]  }
0x2f: {  	lr =	sadd.s32 s0, s3;
	s0 =	sld [smem:$0x3FAB]  }
0x30: {  	s3 =	sld [smem:$0x3FAE]  }
0x31: {  	[smem:$0x3FB7] =	sst s10  }
0x32: {  	s10 =	sld [smem:$0x3FB5];
	_ =	sdelay $0x3  }
0x33: {  	p0 =	seq.s32 s10, $0x1;
	s10 =	sld [smem:$0x3FB7];
	_ =	sdelay $0x3  }
0x34: {  	[smem:$0x3FB7] =	sst s10  }
0x35: {  	s10 =	sld [smem:$0x3FB6];
	_ =	sdelay $0x3  }
0x36: {  	p1 =	seq.s32 s10, $0x1;
	s10 =	sld [smem:$0x3FB7];
	_ =	sdelay $0x3  }
0x37: {  	[smem:$0x3FB7] =	sst s10  }
0x38: {  	s10 =	sld [smem:$0x3FB8]  }
0x39: {  	_ = 	snop;
	(pc) =	sbr.ind lr, $3  }
0x3a: {  	_ = 	snop  }
0x3b: {  	_ = 	snop  }
0x3c: {  	p2 =	seq.s32 s10, $0x1;
	s10 =	sld [smem:$0x3FB7]  }
0x3d: {  	_ =	shalt  }
0x3e: {  	_ =	shalt  }
0x3f: {  	_ =	shalt  }
0x40: {  	_ =	shalt  }
0x41: {  	_ =	shalt  }
0x42: {  	_ =	shalt  }
0x43: {  	_ =	shalt  }
0x44: {  	_ =	shalt  }
0x45: {  	_ =	shalt  }
0x46: {  	_ =	shalt  }
0x47: {  	_ =	shalt  }
0x48: {  	_ =	shalt  }
0x49: {  	_ =	shalt  }
0x4a: {  	_ =	shalt  }
0x4b: {  	_ =	shalt  }
0x4c: {  	_ =	shalt  }
0x4d: {  	_ =	shalt  }
0x4e: {  	_ =	shalt  }
0x4f: {  	_ =	shalt  }
0x50: {  	_ =	shalt  }
0x51: {  	_ =	shalt  }
0x52: {  	_ =	shalt  }
0x53: {  	_ =	shalt  }
0x54: {  	_ =	shalt  }
0x55: {  	_ =	shalt  }
0x56: {  	_ =	shalt  }
0x57: {  	_ =	shalt  }
0x58: {  	_ =	shalt  }
0x59: {  	_ =	shalt  }
0x5a: {  	_ =	shalt  }
0x5b: {  	_ =	shalt  }
0x5c: {  	_ =	shalt  }
0x5d: {  	_ =	shalt  }
0x5e: {  	_ =	shalt  }
0x5f: {  	_ =	shalt  }
0x60: {  	_ =	shalt  }
0x61: {  	_ =	shalt  }
0x62: {  	_ =	shalt  }
0x63: {  	_ =	shalt  }
0x64: {  	_ =	shalt  }
0x65: {  	_ =	shalt  }
0x66: {  	_ =	shalt  }
0x67: {  	_ =	shalt  }
0x68: {  	_ =	shalt  }
0x69: {  	_ =	shalt  }
0x6a: {  	_ =	shalt  }
0x6b: {  	_ =	shalt  }
0x6c: {  	_ =	shalt  }
0x6d: {  	_ =	shalt  }
0x6e: {  	_ =	shalt  }
0x6f: {  	_ =	shalt  }
0x70: {  	_ =	shalt  }
0x71: {  	_ =	shalt  }
0x72: {  	_ =	shalt  }
0x73: {  	_ =	shalt  }
0x74: {  	_ =	shalt  }
0x75: {  	_ =	shalt  }
0x76: {  	_ =	shalt  }
0x77: {  	_ =	shalt  }
0x78: {  	_ =	shalt  }
0x79: {  	_ =	shalt  }
0x7a: {  	_ =	shalt  }
0x7b: {  	_ =	shalt  }
0x7c: {  	_ =	shalt  }
0x7d: {  	_ =	shalt  }
0x7e: {  	_ =	shalt  }
0x7f: {  	_ =	shalt  }
0x80: {  	_ =	shalt  }
0x81: {  	_ =	shalt  }
0x82: {  	_ =	shalt  }
0x83: {  	_ =	shalt  }
0x84: {  	_ =	shalt  }
0x85: {  	_ =	shalt  }
0x86: {  	_ =	shalt  }
0x87: {  	_ =	shalt  }
.Lfunc_end0:
.L_simem_size_0:
called_computation_lowered:
.L_overlay_start_0:
0x88: {  	s2 =	sld [smem:$0x3FD9]  }
0x89: {  	s3 =	sld [smem:$0x3FFE];
	_ =	sdelay $0x1  }
0x8a: {  	s1 =	srdreg.scid  }
0x8b: {  	s0 =	sand.u32 $0x1, s1  }
0x8c: {  	s16 =	sshll.u32 s0, $0xA;
	s2 =	sadd.s32 s3, s2  }
0x8d: {  	s2 =	sadd.s32 s2, s16  }
0x8e: {  	[smem:$0x3FC3] =	sst s2  }
0x8f: {  	_ = 	snop  }
0x90: {  	(tm) =	ssettm $0x1  }
0x91: {  	s17 =	sld [smem:$0x3FFB];
	_ =	sdelay $0x3  }
0x92: {  	_ =	strace s17  }
0x93: {  	s2 =	sld [smem:$0x3FFC];
	_ =	sdelay $0x3  }
0x94: {  	_ =	strace s2  }
0x95: {  	s2 =	sld [smem:$0x3FFD];
	_ =	sdelay $0x3  }
0x96: {  	_ =	strace s2  }
0x97: {  	_ =	strace $0x8FFFFFFF  }
0x98: {  	s18 =	sld [smem:$0x3FDB];
	_ =	sdelay $0x1  }
0x99: {  	s19 =	simm.s32 $_scs_section_size  }
0x9a: {  	s4 =	simm.s32 $_size__tile_overlayer_lowered;
	s5 =	simm.s32 $_tile_overlayer_lowered  }
0x9b: {  	s22 =	simm.s32 $0x1BFF;
	s21 =	sshll.u32 s5, $0x1;
	s2 =	sadd.s32 s19, s18  }
0x9c: {  	s6 =	simm.s32 $0x0;
	s20 =	sshll.u32 s4, $0x1;
	s4 =	sadd.s32 s21, s2  }
0x9d: {  	[timem:s6], [sflag:s22] =	dma.local [hbm:s4], s20  }
0x9e: {  	_ =	swait.ge [sflag:s22], s20  }
0x9f: {  	s3 =	ssub.s32 $0x0, s20;
	[sflag:s22] =	ssyncset.done $0x0  }
0xa0: {  	[sflag:s22] =	ssyncadd.s32 s3;
	_ =	sdelay $0x1  }
0xa1: {  	s23 =	simm.s32 $0x1B8B  }
0xa2: {  	_ =	swait.ge [sflag:s23], $0x1  }
0xa3: {  	[sflag:s23] =	ssyncset.done $0x0  }
0xa4: {  	s25 =	simm.s32 $0x1B8E;
	s24 =	sld [smem:$0x3FFE];
	[sflag:s23] =	ssyncadd.s32 $0xFFFFFFFF  }
0xa5: {  	s26 =	simm.s32 $execute0_lowered;
	[smem:$0x3FD2] =	sst s25  }
0xa6: {  	s4 =	sshll.u32 s26, $0x1;
	_ =	strace $0x80000046;
	[dreg:$0x1] =	wrdreg $0xFFFFFFFF  }
0xa7: {  	s28 =	simm.s32 $_size_execute0_lowered;
	s2 =	sadd.s32 s2, s4;
	[dreg:$0x0] =	wrdreg $0x0  }
0xa8: {  	s4 =	sshll.u32 s28, $0x1;
	[dreg:$0x2] =	wrdreg s2  }
0xa9: {  	[dreg:$0x3] =	wrdreg s4  }
0xaa: {  	[dreg:$0x4] =	wrdreg $0xC0  }
0xab: {  	_ =	task [dreg:s6], $0x5FFFF  }
0xac: {  	[dreg:$0x1] =	wrdreg $0xFFFFFFFF  }
0xad: {  	[dreg:$0x0] =	wrdreg $0x60  }
0xae: {  	[dreg:$0x2] =	wrdreg s24  }
0xaf: {  	[dreg:$0x3] =	wrdreg $0x90800  }
0xb0: {  	[dreg:$0x4] =	wrdreg $0x9  }
0xb1: {  	_ =	task.clear_ibuf [dreg:s6], $0x5FFFF;
	_ =	strace $0x90000046  }
0xb2: {  	s29 =	simm.s32 $0x9;
	_ =	strace $0x80000048  }
0xb3: {  	_ =	swait.ge [sflag:s29], $0x1  }
0xb4: {  	[sflag:s29] =	ssyncadd.s32 $0xFFFFFFFF  }
0xb5: {  	_ =	strace $0x90000048  }
0xb6: {  	_ =	sfence  }
0xb7: {  	s30 =	sld [smem:$0x0];
	_ =	sdelay $0x2  }
0xb8: {  	s31 =	sshll.u32 s1, $0xD;
	s1 =	sshrl.u32 s1, $0x2  }
0xb9: {  	s3 =	sand.u32 $0x4000, s31;
	s1 =	sadd.s32 s1, s30  }
0xba: {  	s0 =	sor.u32 s3, s0;
	s1 =	sshll.u32 s1, $0x11  }
0xbb: {  	s0 =	sor.u32 s1, s0  }
0xbc: {  	s0 =	sadd.s32 $0x8F2B, s0  }
0xbd: {  	[sflag:s0] =	ssyncadd.remote.s32 $0x1  }
0xbe: {  	_ =	sfence.sel $0xFFFF  }
0xbf: {  	[dreg:$0x0] =	wrdreg $0xFFFFFFFF;
	(pc) =	sbr.abs _section_cstart, $3  }
0xc0: {  	[dreg:$0x1] =	wrdreg $0xFFFFFFFF  }
0xc1: {  	_ =	task.clear_ibuf [dreg:s6], $0x2FFFF;
	_ =	strace $0x9FFFFFFF  }
0xc2: {  	(tm) =	ssettm $0x7FFFFFFF  }
0xc3: {  	_ =	shalt  }
tec
execute0_lowered:
.L_overlay_start_1:
0x0: {  	(tag) =	ssettag $0x1  }
0x1: {  	s1 =	srdreg.scid  }
0x2: {  	s0 =	stileid.u32;
	s6 =	rddreg [dreg:$0x0]  }
0x3: {  	s2 =	rddreg [dreg:$0x1];
	s3 =	simm.s32 $0x0;
	s16 =	simm.s32 $0x50  }
0x4: {  	s17 =	simm.s32 $0x80;
	s18 =	simm.s32 $0x0;
	s5 =	smul.u32 $0x4E20, s0  }
0x5: {  	s4 =	sand.u32 $0x1, s1;
	s1 =	rddreg [dreg:$0x2];
	s28 =	smul.u32 $0x4E000, s0  }
0x6: {  	[smem:$0x7FF] =	sst s3;
	s11 =	sadd.s32 $0x15400, s6;
	s30 =	smul.u32 $0x13800, s0  }
0x7: {  	p0 =	sne.s32 s0, $0x0;
	s7 =	smul.u32 $0x2710, s4;
	s29 =	ssub.s32 $0x2, s4  }
0x8: {  	_ =	strace $0x80000047;
	s9 =	smul.u32 $0x138800, s4;
	s8 =	sshrl.u32 s29, $0x1  }
0x9: {  	s10 =	sadd.s32 $0x6800, s30;
	s14 =	sadd.s32 $0xD000, s30;
	s5 =	sadd.s32 s7, s5  }
0xa: {  	s12 =	ssub.s32 s29, s8;
	s31 =	sadd.s32 s30, s9;
	s7 =	sadd.s32 $0x138000, s2  }
0xb: {  	s15 =	sshrl.u32 s9, $0x3;
	s5 =	sshrl.u32 s5, $0x3;
	s8 =	sshrl.u32 s31, $0x3  }
0xc: {  	s12 =	smax.u32 s12, $0x1;
	s13 =	sadd.s32 s5, s6;
	s5 =	sshrl.u32 s28, $0x2  }
0xd: {  	s6 =	sadd.s32 s14, s2;
	s8 =	sadd.s32 s11, s8;
	s14 =	sadd.s32 s9, s14  }
0xe: {  	s4 =	sadd.s32 s5, s2;
	s5 =	sadd.s32 s10, s2;
	s10 =	sadd.s32 s9, s10  }
0xf: {  	s14 =	sshrl.u32 s14, $0x3;
	s13 =	sadd.s32 $0xB600, s13;
	s10 =	sshrl.u32 s10, $0x3  }
0x10: {  	s9 =	sadd.s32 s11, s10;
	s10 =	sadd.s32 s11, s14;
	s11 =	sadd.s32 s11, s15  }
0x11: {  	v0 =	vimm.f32 $0.0e+00;
	v1 =	vimm.f32 $1.000000000e+00;
	s14 =	simm.s32 $0x2880;
	s15 =	simm.s32 $0x1;
	s11 =	sadd.s32 $0x27000, s11  }
.LBB2_1:
0x12: {  	s19 =	simm.s32 $0x0  }
.LBB2_2:
0x13: {  	p1 =	sne.s32 s19, $0x19E00  }
.Ltmp0:
0x14: {  	_ = 	snop;
	(pc) =	sbr.rel @p1 .LBB2_2-.Ltmp0, $3  }
0x15: {  	_ =	sdelay $0x1  }
0x16: {  	s20 =	sshra.s32 s19, $0x2  }
0x17: {  	s19 =	sadd.s32 $0x200, s19;
	[tilespmem:s20+$0x2880] =	vst v0  }
0x18: {  	s19 =	simm.s32 $0x200;
	s20 =	simm.s32 $0x0  }
.LBB2_4:
0x19: {  	p1 =	sne.s32 s19, $0x9E00;
	[tilespmem:s20+$0x80] =	vst v1;
	s20 =	smov.u32 s19;
	s19 =	sadd.s32 $0x200, s19  }
.Ltmp1:
0x1a: {  	(pc) =	sbr.rel @p1 .LBB2_4-.Ltmp1, $2  }
0x1b: {  	_ =	sdelay $0x2  }
0x1c: {  	s20 =	sshra.s32 s20, $0x2  }
0x1d: {  	[tilespmem:s20+$0x80] =	vst v1  }
0x1e: {  	[spmem:s4] =	stream.linear.scatter [tilespmem:s14], [sflag:$0x1], $0x6800, $0x38;
	[tilespmem:$0xB790] =	vst v63  }
0x1f: {  	_ =	swait.ge [sflag:s15], $0x6800  }
0x20: {  	[sflag:s15] =	ssyncset.done $0x0  }
0x21: {  	[sflag:s15] =	ssyncadd.s32 $0xFFFF9800  }
0x22: {  	[spmem:s5] =	stream.linear.scatter [tilespmem:s14], [sflag:$0x1], $0x6800, $0x38;
	[tilespmem:$0xB790] =	vst v63  }
0x23: {  	_ =	swait.ge [sflag:s15], $0x6800  }
0x24: {  	[sflag:s15] =	ssyncset.done $0x0  }
0x25: {  	[sflag:s15] =	ssyncadd.s32 $0xFFFF9800  }
0x26: {  	[spmem:s6] =	stream.linear.scatter [tilespmem:s14], [sflag:$0x1], $0x6800, $0x38;
	[tilespmem:$0xB790] =	vst v63  }
0x27: {  	_ =	swait.ge [sflag:s15], $0x6800  }
0x28: {  	[sflag:s15] =	ssyncset.done $0x0  }
0x29: {  	s19 =	simm.s32 @!p0 $0x2880;
	[sflag:s15] =	ssyncadd.s32 $0xFFFF9800  }
0x2a: {  	[spmem:s7] =	stream.linear.scatter @!p0 [tilespmem:s19], [sflag:$0x1], $0x800, $0x38;
	[tilespmem:$0xB790] =	vst v63  }
0x2b: {  	s19 =	simm.s32 @!p0 $0x1  }
0x2c: {  	_ =	swait.ge @!p0 [sflag:s19], $0x800  }
0x2d: {  	[sflag:s19] =	ssyncset.done @!p0 $0x0  }
0x2e: {  	[sflag:s19] =	ssyncadd.s32 @!p0 $0xFFFFF800  }
0x2f: {  	s31 =	sadd.s32 $0x0, s13;
	[bflag:$0x0] =	sbarrier.arrive $0xFFFF  }
0x30: {  	[tilespmem:s3], [sflag:$0x1] =	stream.linear.gather [hbm4b:s31+s3], $0x50, $0x38;
	[tilespmem:$0xB790] =	vst v63  }
0x31: {  	_ =	swait.ge [sflag:s15], $0x50  }
0x32: {  	[sflag:s15] =	ssyncset.done $0x0  }
0x33: {  	[sflag:s15] =	ssyncadd.s32 $0xFFFFFFB0  }
0x34: {  	[spmem:s2] =	stream.indirect.scatter.add.f32 [tilespmem:s17], [sflag:$0x1], $0x10, s3, s16, $0xb8;
	[tilespmem:$0xB790] =	vst v63  }
0x35: {  	_ =	swait.ge [sflag:s15], $0x500  }
0x36: {  	s20 =	simm.s32 $0x14;
	s19 =	simm.s32 $0xA;
	[sflag:s15] =	ssyncset.done $0x0  }
.LBB2_6:
0x37: {  	s21 =	sadd.s32 s19, s13  }
0x38: {  	[sflag:s15] =	ssyncadd.s32 $0xFFFFFB00;
	s19 =	smov.u32 s20;
	s22 =	sadd.s32 $0xA, s20  }
0x39: {  	[tilespmem:s3], [sflag:$0x1] =	stream.linear.gather [hbm4b:s21+s3], $0x50, $0x38;
	[tilespmem:$0xB790] =	vst v63  }
0x3a: {  	p1 =	sne.s32 s20, $0x4D8;
	_ =	swait.ge [sflag:s15], $0x50  }
.Ltmp2:
0x3b: {  	[sflag:s15] =	ssyncset.done $0x0;
	(pc) =	sbr.rel @p1 .LBB2_6-.Ltmp2, $4  }
0x3c: {  	[sflag:s15] =	ssyncadd.s32 $0xFFFFFFB0  }
0x3d: {  	[spmem:s2] =	stream.indirect.scatter.add.f32 [tilespmem:s17], [sflag:$0x1], $0x10, s3, s16, $0xb8;
	[tilespmem:$0xB790] =	vst v63  }
0x3e: {  	_ =	swait.ge [sflag:s15], $0x500  }
0x3f: {  	s20 =	smov.u32 s22;
	[sflag:s15] =	ssyncset.done $0x0  }
0x40: {  	s19 =	sadd.s32 s19, s13;
	[sflag:s15] =	ssyncadd.s32 $0xFFFFFB00  }
0x41: {  	[tilespmem:s3], [sflag:$0x1] =	stream.linear.gather [hbm4b:s19+s3], $0x50, $0x38;
	[tilespmem:$0xB790] =	vst v63  }
0x42: {  	_ =	swait.ge [sflag:s15], $0x50  }
0x43: {  	[sflag:s15] =	ssyncset.done $0x0  }
0x44: {  	[sflag:s15] =	ssyncadd.s32 $0xFFFFFFB0  }
0x45: {  	[spmem:s2] =	stream.indirect.scatter.add.f32 [tilespmem:s17], [sflag:$0x1], $0x10, s3, s16, $0xb8;
	[tilespmem:$0xB790] =	vst v63  }
0x46: {  	_ =	swait.ge [sflag:s15], $0x500  }
0x47: {  	[sflag:s15] =	ssyncset.done $0x0  }
0x48: {  	s29 =	sshll.u32 s0, $0x6;
	[sflag:s15] =	ssyncadd.s32 $0xFFFFFB00  }
0x49: {  	s20 =	sshrl.u32 s4, $0x3;
	s19 =	sor.u32 $0x1C01, s29;
	[bflag:$0x0] =	sbarrier.arrive $0xFFFF  }
0x4a: {  	[hbm:s8], [sflag:s19] =	dma.local [spmem:s20], $0xD00  }
0x4b: {  	_ =	swait.ge [sflag:s15], $0xD00  }
0x4c: {  	[sflag:s15] =	ssyncset.done $0x0  }
0x4d: {  	s30 =	sshrl.u32 s5, $0x3;
	[sflag:s15] =	ssyncadd.s32 $0xFFFFF300  }
0x4e: {  	[hbm:s9], [sflag:s19] =	dma.local [spmem:s30], $0xD00  }
0x4f: {  	_ =	swait.ge [sflag:s15], $0xD00  }
0x50: {  	[sflag:s15] =	ssyncset.done $0x0  }
0x51: {  	s31 =	sshrl.u32 s6, $0x3;
	[sflag:s15] =	ssyncadd.s32 $0xFFFFF300  }
0x52: {  	[hbm:s10], [sflag:s19] =	dma.local [spmem:s31], $0xD00  }
0x53: {  	_ =	swait.ge [sflag:s15], $0xD00  }
0x54: {  	s18 =	sadd.s32 $0x1, s18;
	[sflag:s15] =	ssyncset.done $0x0  }
0x55: {  	p1 =	sne.s32 s18, s12;
	s20 =	sshrl.u32 @!p0 s7, $0x3;
	[sflag:s15] =	ssyncadd.s32 $0xFFFFF300  }
0x56: {  	[hbm:s11], [sflag:s19] =	dma.local @!p0 [spmem:s20], $0x100  }
.Ltmp3:
0x57: {  	_ = 	snop;
	(pc) =	sbr.rel @p1 .LBB2_1-.Ltmp3, $4  }
0x58: {  	s19 =	simm.s32 @!p0 $0x1  }
0x59: {  	_ =	swait.ge @!p0 [sflag:s19], $0x100  }
0x5a: {  	[sflag:s19] =	ssyncset.done @!p0 $0x0  }
0x5b: {  	[sflag:s19] =	ssyncadd.s32 @!p0 $0xFFFFFF00  }
0x5c: {  	_ =	sfence.sel $0x180000  }
0x5d: {  	[bflag:$0x0] =	sbarrier.arrive $0xFFFF  }
0x5e: {  	_ =	strace $0x90000047  }
0x5f: {  	s0 =	sadd.s32 @!p0 $0x100000, s1;
	[bflag:$0x2] =	sbarrier.arrive $0xFFFF  }
0x60: {  	[sflag:s0] =	ssyncadd.tile.s32 @!p0 $0x1;
	_ =	shalt  }
.Lfunc_end2:
_tile_overlayer_lowered:
.L_overlay_start_2:
0x61: {  	(tag) =	ssettag $0x2  }
0x62: {  	s0 =	rddreg [dreg:$0x0];
	s2 =	stileid.u32  }
0x63: {  	s1 =	rddreg [dreg:$0x1];
	p0 =	sne.s32 s2, $0x0  }
0x64: {  	s3 =	rddreg [dreg:$0x2];
	[bflag:$0x3] =	sbarrier.arrive $0xFFFF;
	s2 =	simm.s32 @!p0 $0x1C01  }
0x65: {  	[timem:s3], [sflag:s2] =	dma.local @!p0 [hbm:s0], s1  }
0x66: {  	s0 =	simm.s32 @!p0 $0x1  }
0x67: {  	_ =	swait.ge @!p0 [sflag:s0], s1  }
0x68: {  	s1 =	ssub.s32 @!p0 $0x0, s1;
	[sflag:s0] =	ssyncset.done @!p0 $0x0  }
0x69: {  	[sflag:s0] =	ssyncadd.s32 @!p0 s1  }
0x6a: {  	[bflag:$0x3] =	sbarrier.arrive $0xFFFF  }
0x6b: {  	_ =	shalt  }

</sc_bundles>
